<compile_context>
chip_gen: v7x
topology: tpu7x:2x2x1
jax: 0.10.2.dev20260603
libtpu: 0.0.44.dev20260713+nightly
codegen_flags: <defaults>
</compile_context>

<pallas_src>
import functools

import jax
import jax.numpy as jnp
from jax import lax
from jax.experimental import pallas as pl
from jax.experimental.pallas import tpu as pltpu
from jax.experimental.pallas import tpu_sc as plsc

N = 16384
C = 1000
NC = 2
NS = 16
L = 16
NW = NC * NS
NB = N // NW
W = 128
NQ = NB // W


def _sc_body(probT_hbm, tgt_hbm, rwd_hbm, out_hbm, tgt_v, rwd_v, gat_v,
             acc_v, sem):
    wid = lax.axis_index("s") * NC + lax.axis_index("c")
    base = wid * NB

    pltpu.sync_copy(tgt_hbm.at[pl.ds(base, NB)], tgt_v)
    pltpu.sync_copy(rwd_hbm.at[pl.ds(base, NB)], rwd_v)

    def fire(q, carry):
        cstart = pl.multiple_of(base + q * W, W)
        dst0 = pl.multiple_of(q * W, W)
        pltpu.async_copy(
            probT_hbm.at[plsc.Indices(tgt_v.at[pl.ds(dst0, W)]),
                         pl.ds(cstart, W)],
            gat_v.at[pl.ds(dst0, W)], sem)
        return carry

    lax.fori_loop(0, NQ, fire, 0, unroll=False)

    lane = lax.broadcasted_iota(jnp.int32, (L,), 0)

    def outer(q, acc):
        pltpu.make_async_copy(
            probT_hbm.at[plsc.Indices(tgt_v.at[pl.ds(0, W)]), pl.ds(0, W)],
            gat_v.at[pl.ds(0, W)], sem).wait()

        def accum(j, acc):
            rows = j * L + lane
            cols = lax.bitwise_and(rows, W - 1)
            vals = plsc.load_gather(gat_v, [rows, cols])
            return acc + vals * rwd_v[pl.ds(j * L, L)]

        return lax.fori_loop(q * (W // L), (q + 1) * (W // L), accum, acc,
                             unroll=False)

    acc = lax.fori_loop(0, NQ, outer, jnp.zeros((L,), jnp.float32),
                        unroll=False)
    acc_v[...] = acc * (-1.0 / N)

    pltpu.sync_copy(acc_v, out_hbm.at[wid])


@jax.jit
def _ganloss(prob, targets, reward):
    mesh = plsc.VectorSubcoreMesh(core_axis_name="c", subcore_axis_name="s")
    partials = pl.kernel(
        _sc_body,
        out_type=jax.ShapeDtypeStruct((NW, L), jnp.float32),
        mesh=mesh,
        compiler_params=pltpu.CompilerParams(needs_layout_passes=False),
        scratch_types=[
            pltpu.VMEM((NB,), jnp.int32),
            pltpu.VMEM((NB,), jnp.float32),
            pltpu.VMEM((NB, W), jnp.float32),
            pltpu.VMEM((L,), jnp.float32),
            pltpu.SemaphoreType.DMA,
        ],
    )(jnp.swapaxes(prob, 0, 1), targets, reward)
    return jnp.sum(partials)


def kernel(prob, targets, reward):
    return _ganloss(prob, targets.astype(jnp.int32), reward)

# --- scband reference (transcript-rebuilt; emitter-appended) ---
"""Pipeline reference for scband-ganloss-71227737637217 (READ-ONLY COPY).

The authoritative reference and input builder live on the scoring server;
editing this copy changes nothing except your own understanding.
"""

import jax, jax.numpy as jnp
import numpy as np

N = 16384
C = 1000

def setup_inputs(seed: int = 0) -> dict:
    key = jax.random.key(seed)
    k1, k2, k3 = jax.random.split(key, 3)
    prob = jax.random.normal(k1, (N, C), dtype=jnp.float32)
    targets = jax.random.randint(k2, (N,), 0, C).astype(jnp.int64)
    reward = jax.random.uniform(k3, (N,), dtype=jnp.float32)
    return {"prob": prob, "targets": targets, "reward": reward}

def reference(prob, targets, reward):
    # torch: one_hot scatter + masked_select picks prob[i, targets[i]] per row
    selected = jnp.take_along_axis(prob, targets[:, None].astype(jnp.int32), axis=1)[:, 0]
    loss = selected * reward
    loss = -jnp.mean(loss)
    return loss

if __name__ == "__main__":
    import jax
    _d = setup_inputs()
    print(jax.jit(kernel)(*tuple(_d.values())))

</pallas_src>

<mosaic_0001>
#map = affine_map<(d0, d1) -> (0, 0)>
#map1 = affine_map<(d0, d1) -> (0)>
module attributes {stable_mosaic.version = 14 : i64} {
  func.func @_sc_body(%arg0: i32, %arg1: i32, %arg2: memref<1000x16384xf32, #tpu.memory_space<hbm>>, %arg3: memref<16384xi32, #tpu.memory_space<hbm>>, %arg4: memref<16384xf32, #tpu.memory_space<hbm>>, %arg5: memref<32x16xf32, #tpu.memory_space<hbm>>, %arg6: memref<512xi32, #tpu.memory_space<vmem>>, %arg7: memref<512xf32, #tpu.memory_space<vmem>>, %arg8: memref<512x128xf32, #tpu.memory_space<vmem>>, %arg9: memref<16xf32, #tpu.memory_space<vmem>>, %arg10: memref<!tpu.dma_semaphore, #tpu.memory_space<semaphore_mem>>) attributes {dimension_semantics = [#tpu.dimension_semantics<core_parallel>, #tpu.dimension_semantics<subcore_parallel>], iteration_bounds = array<i64: 2, 16>, scalar_prefetch = 0 : i64, scratch_operands = 5 : i64, tpu.core_type = #tpu.core_type<sc_vector_subcore>, window_params = [{transform_indices = #map}, {transform_indices = #map1}, {transform_indices = #map1}, {transform_indices = #map}]} {
    %mul3A = arith.constant 2 : i32
    %mul3A_0 = arith.muli %arg1, %mul3A : i32
    %add3A = arith.addi %mul3A_0, %arg0 : i32
    %mul3A_1 = arith.constant 512 : i32
    %mul3A_2 = arith.muli %add3A, %mul3A_1 : i32
    "tpu.region"() ({
      %run_scoped3A = tpu.sem_alloc : memref<!tpu.dma_semaphore, #tpu.memory_space<semaphore_mem>>
      %dma_start3A = tpu.memref_slice %arg3[%mul3A_2] : memref<16384xi32, #tpu.memory_space<hbm>> -> memref<512xi32, #tpu.memory_space<hbm>>
      %dma_start3A_19 = tpu.memref_slice %arg3[%mul3A_2] : memref<16384xi32, #tpu.memory_space<hbm>> -> memref<512xi32, #tpu.memory_space<hbm>>
      tpu.enqueue_dma source(%dma_start3A_19 : memref<512xi32, #tpu.memory_space<hbm>>) target(%arg6 : memref<512xi32, #tpu.memory_space<vmem>>) target_semaphore(%run_scoped3A : memref<!tpu.dma_semaphore, #tpu.memory_space<semaphore_mem>>)
      %dma_wait3A = tpu.memref_slice %arg3[%mul3A_2] : memref<16384xi32, #tpu.memory_space<hbm>> -> memref<512xi32, #tpu.memory_space<hbm>>
      %dma_wait3A_20 = tpu.memref_slice %arg3[%mul3A_2] : memref<16384xi32, #tpu.memory_space<hbm>> -> memref<512xi32, #tpu.memory_space<hbm>>
      tpu.wait_dma2 semaphore(%run_scoped3A : memref<!tpu.dma_semaphore, #tpu.memory_space<semaphore_mem>>) src(%dma_wait3A_20 : memref<512xi32, #tpu.memory_space<hbm>>) dst(%arg6 : memref<512xi32, #tpu.memory_space<vmem>>)
      tpu.yield
    }) : () -> ()
    "tpu.region"() ({
      %run_scoped3A = tpu.sem_alloc : memref<!tpu.dma_semaphore, #tpu.memory_space<semaphore_mem>>
      %dma_start3A = tpu.memref_slice %arg4[%mul3A_2] : memref<16384xf32, #tpu.memory_space<hbm>> -> memref<512xf32, #tpu.memory_space<hbm>>
      %dma_start3A_19 = tpu.memref_slice %arg4[%mul3A_2] : memref<16384xf32, #tpu.memory_space<hbm>> -> memref<512xf32, #tpu.memory_space<hbm>>
      tpu.enqueue_dma source(%dma_start3A_19 : memref<512xf32, #tpu.memory_space<hbm>>) target(%arg7 : memref<512xf32, #tpu.memory_space<vmem>>) target_semaphore(%run_scoped3A : memref<!tpu.dma_semaphore, #tpu.memory_space<semaphore_mem>>)
      %dma_wait3A = tpu.memref_slice %arg4[%mul3A_2] : memref<16384xf32, #tpu.memory_space<hbm>> -> memref<512xf32, #tpu.memory_space<hbm>>
      %dma_wait3A_20 = tpu.memref_slice %arg4[%mul3A_2] : memref<16384xf32, #tpu.memory_space<hbm>> -> memref<512xf32, #tpu.memory_space<hbm>>
      tpu.wait_dma2 semaphore(%run_scoped3A : memref<!tpu.dma_semaphore, #tpu.memory_space<semaphore_mem>>) src(%dma_wait3A_20 : memref<512xf32, #tpu.memory_space<hbm>>) dst(%arg7 : memref<512xf32, #tpu.memory_space<vmem>>)
      tpu.yield
    }) : () -> ()
    %scan3A = arith.constant 0 : i32
    %scan3A_3 = arith.constant 0 : i32
    %scan3A_4 = arith.constant 4 : i32
    %scan3A_5 = arith.addi %scan3A_3, %scan3A_4 : i32
    %scan3A_6 = arith.constant 1 : i32
    scf.for %scan3A_19 = %scan3A_3 to %scan3A_5 step %scan3A_6  : i32 {
      %mul3A_20 = arith.constant 128 : i32
      %mul3A_21 = arith.muli %scan3A_19, %mul3A_20 : i32
      %add3A_22 = arith.addi %mul3A_2, %mul3A_21 : i32
      %multiple_of3A = tpu.assume_multiple %add3A_22, 128 : i32
      %mul3A_23 = arith.constant 128 : i32
      %mul3A_24 = arith.muli %scan3A_19, %mul3A_23 : i32
      %multiple_of3A_25 = tpu.assume_multiple %mul3A_24, 128 : i32
      %dma_start3A = arith.constant 0 : i32
      %dma_start3A_26 = tpu.memref_slice %arg8[%multiple_of3A_25, %dma_start3A] : memref<512x128xf32, #tpu.memory_space<vmem>> -> memref<128x128xf32, #tpu.memory_space<vmem>>
      %dma_start3A_27 = tpu.memref_slice %arg6[%multiple_of3A_25] : memref<512xi32, #tpu.memory_space<vmem>> -> memref<128xi32, #tpu.memory_space<vmem>>
      %dma_start3A_28 = arith.constant 0 : i32
      %dma_start3A_29 = tpu.memref_slice %arg2[%dma_start3A_28, %multiple_of3A] : memref<1000x16384xf32, #tpu.memory_space<hbm>> -> memref<1000x128xf32, #tpu.memory_space<hbm>>
      tpu.enqueue_indirect_dma source(%dma_start3A_29 : memref<1000x128xf32, #tpu.memory_space<hbm>>) target(%dma_start3A_26 : memref<128x128xf32, #tpu.memory_space<vmem>>) offsets(%dma_start3A_27 : memref<128xi32, #tpu.memory_space<vmem>>) semaphore(%arg10 : memref<!tpu.dma_semaphore, #tpu.memory_space<semaphore_mem>>)
    }
    %scan3A_7 = arith.constant 4 : i32
    %iota3A = tpu.iota {dimensions = array<i32: 0>} : vector<16xi32>
    %broadcast_in_dim3A = arith.constant 0.000000e+00 : f32
    %broadcast_in_dim3A_8 = vector.broadcast %broadcast_in_dim3A : f32 to vector<16xf32>
    %scan3A_9 = arith.constant 0 : i32
    %scan3A_10 = arith.constant 4 : i32
    %scan3A_11 = arith.addi %scan3A_9, %scan3A_10 : i32
    %scan3A_12 = arith.constant 1 : i32
    %scan3A_13 = scf.for %scan3A_19 = %scan3A_9 to %scan3A_11 step %scan3A_12 iter_args(%scan3A_20 = %broadcast_in_dim3A_8) -> (vector<16xf32>)  : i32 {
      %dma_wait3A = arith.constant 0 : i32
      %dma_wait3A_21 = arith.constant 0 : i32
      %dma_wait3A_22 = tpu.memref_slice %arg8[%dma_wait3A, %dma_wait3A_21] : memref<512x128xf32, #tpu.memory_space<vmem>> -> memref<128x128xf32, #tpu.memory_space<vmem>>
      %dma_wait3A_23 = arith.constant 0 : i32
      %dma_wait3A_24 = tpu.memref_slice %arg6[%dma_wait3A_23] : memref<512xi32, #tpu.memory_space<vmem>> -> memref<128xi32, #tpu.memory_space<vmem>>
      %dma_wait3A_25 = arith.constant 0 : i32
      %dma_wait3A_26 = arith.constant 0 : i32
      %dma_wait3A_27 = tpu.memref_slice %arg2[%dma_wait3A_25, %dma_wait3A_26] : memref<1000x16384xf32, #tpu.memory_space<hbm>> -> memref<1000x128xf32, #tpu.memory_space<hbm>>
      tpu.wait_indirect_dma semaphore(%arg10 : memref<!tpu.dma_semaphore, #tpu.memory_space<semaphore_mem>>) src(%dma_wait3A_27 : memref<1000x128xf32, #tpu.memory_space<hbm>>) dst(%dma_wait3A_22 : memref<128x128xf32, #tpu.memory_space<vmem>>)
      %mul3A_28 = arith.constant 8 : i32
      %mul3A_29 = arith.muli %scan3A_19, %mul3A_28 : i32
      %add3A_30 = arith.constant 1 : i32
      %add3A_31 = arith.addi %scan3A_19, %add3A_30 : i32
      %mul3A_32 = arith.constant 8 : i32
      %mul3A_33 = arith.muli %add3A_31, %mul3A_32 : i32
      %while3A = arith.subi %mul3A_33, %mul3A_29 : i32
      %while3A_34 = arith.addi %mul3A_29, %while3A : i32
      %while3A_35 = arith.constant 1 : i32
      %while3A_36 = arith.divsi %while3A, %while3A_35 : i32
      %while3A_37 = arith.muli %while3A_36, %while3A_35 : i32
      %while3A_38 = arith.addi %mul3A_29, %while3A_37 : i32
      %while3A_39 = arith.constant 1 : i32
      %while3A_40 = scf.for %while3A_43 = %mul3A_29 to %while3A_38 step %while3A_39 iter_args(%while3A_44 = %scan3A_20) -> (vector<16xf32>)  : i32 {
        %mul3A_45 = arith.constant 16 : i32
        %mul3A_46 = arith.muli %while3A_43, %mul3A_45 : i32
        %add3A_47 = vector.broadcast %mul3A_46 : i32 to vector<16xi32>
        %add3A_48 = arith.addi %add3A_47, %iota3A : vector<16xi32>
        %and3A = arith.constant 127 : i32
        %and3A_49 = vector.broadcast %and3A : i32 to vector<16xi32>
        %and3A_50 = arith.andi %add3A_48, %and3A_49 : vector<16xi32>
        %gather3A = tpu.vector_load_idx %arg8[%add3A_48, %and3A_50] : memref<512x128xf32, #tpu.memory_space<vmem>>[vector<16xi32>, vector<16xi32>], vector<16xf32>,
        %mul3A_51 = arith.constant 16 : i32
        %mul3A_52 = arith.muli %while3A_43, %mul3A_51 : i32
        %get3A = arith.index_cast %mul3A_52 : i32 to index
        %get3A_53 = tpu.vector_load %arg7[%get3A] {strides = array<i32>} : memref<512xf32, #tpu.memory_space<vmem>>, vector<16xf32>,
        %mul3A_54 = arith.mulf %gather3A, %get3A_53 : vector<16xf32>
        %add3A_55 = arith.addf %while3A_44, %mul3A_54 : vector<16xf32>
        scf.yield %add3A_55 : vector<16xf32>
      }
      %while3A_41 = arith.constant 1 : i32
      %while3A_42 = scf.for %while3A_43 = %while3A_38 to %while3A_34 step %while3A_41 iter_args(%while3A_44 = %while3A_40) -> (vector<16xf32>)  : i32 {
        %mul3A_45 = arith.constant 16 : i32
        %mul3A_46 = arith.muli %while3A_43, %mul3A_45 : i32
        %add3A_47 = vector.broadcast %mul3A_46 : i32 to vector<16xi32>
        %add3A_48 = arith.addi %add3A_47, %iota3A : vector<16xi32>
        %and3A = arith.constant 127 : i32
        %and3A_49 = vector.broadcast %and3A : i32 to vector<16xi32>
        %and3A_50 = arith.andi %add3A_48, %and3A_49 : vector<16xi32>
        %gather3A = tpu.vector_load_idx %arg8[%add3A_48, %and3A_50] : memref<512x128xf32, #tpu.memory_space<vmem>>[vector<16xi32>, vector<16xi32>], vector<16xf32>,
        %mul3A_51 = arith.constant 16 : i32
        %mul3A_52 = arith.muli %while3A_43, %mul3A_51 : i32
        %get3A = arith.index_cast %mul3A_52 : i32 to index
        %get3A_53 = tpu.vector_load %arg7[%get3A] {strides = array<i32>} : memref<512xf32, #tpu.memory_space<vmem>>, vector<16xf32>,
        %mul3A_54 = arith.mulf %gather3A, %get3A_53 : vector<16xf32>
        %add3A_55 = arith.addf %while3A_44, %mul3A_54 : vector<16xf32>
        scf.yield %add3A_55 : vector<16xf32>
      }
      scf.yield %while3A_42 : vector<16xf32>
    }
    %scan3A_14 = arith.constant 4 : i32
    %mul3A_15 = arith.constant -6.10351563E-5 : f32
    %mul3A_16 = vector.broadcast %mul3A_15 : f32 to vector<16xf32>
    %mul3A_17 = arith.mulf %scan3A_13, %mul3A_16 : vector<16xf32>
    %swap3A = arith.constant 0 : index
    %swap3A_18 = tpu.vector_load %arg9[%swap3A] {strides = array<i32>} : memref<16xf32, #tpu.memory_space<vmem>>, vector<16xf32>,
    tpu.vector_store %arg9[%swap3A], %mul3A_17 {strides = array<i32>} : memref<16xf32, #tpu.memory_space<vmem>>, vector<16xf32>,
    "tpu.region"() ({
      %run_scoped3A = tpu.sem_alloc : memref<!tpu.dma_semaphore, #tpu.memory_space<semaphore_mem>>
      %dma_start3A = arith.constant 0 : i32
      %dma_start3A_19 = tpu.memref_slice %arg5[%add3A, %dma_start3A] : memref<32x16xf32, #tpu.memory_space<hbm>> -> memref<1x16xf32, #tpu.memory_space<hbm>>
      %dma_start3A_20 = tpu.memref_squeeze %dma_start3A_19 : memref<1x16xf32, #tpu.memory_space<hbm>> -> memref<16xf32, #tpu.memory_space<hbm>>
      %dma_start3A_21 = arith.constant 0 : i32
      %dma_start3A_22 = tpu.memref_slice %arg5[%add3A, %dma_start3A_21] : memref<32x16xf32, #tpu.memory_space<hbm>> -> memref<1x16xf32, #tpu.memory_space<hbm>>
      %dma_start3A_23 = tpu.memref_squeeze %dma_start3A_22 : memref<1x16xf32, #tpu.memory_space<hbm>> -> memref<16xf32, #tpu.memory_space<hbm>>
      tpu.enqueue_dma source(%arg9 : memref<16xf32, #tpu.memory_space<vmem>>) target(%dma_start3A_23 : memref<16xf32, #tpu.memory_space<hbm>>) target_semaphore(%run_scoped3A : memref<!tpu.dma_semaphore, #tpu.memory_space<semaphore_mem>>)
      %dma_wait3A = arith.constant 0 : i32
      %dma_wait3A_24 = tpu.memref_slice %arg5[%add3A, %dma_wait3A] : memref<32x16xf32, #tpu.memory_space<hbm>> -> memref<1x16xf32, #tpu.memory_space<hbm>>
      %dma_wait3A_25 = tpu.memref_squeeze %dma_wait3A_24 : memref<1x16xf32, #tpu.memory_space<hbm>> -> memref<16xf32, #tpu.memory_space<hbm>>
      %dma_wait3A_26 = arith.constant 0 : i32
      %dma_wait3A_27 = tpu.memref_slice %arg5[%add3A, %dma_wait3A_26] : memref<32x16xf32, #tpu.memory_space<hbm>> -> memref<1x16xf32, #tpu.memory_space<hbm>>
      %dma_wait3A_28 = tpu.memref_squeeze %dma_wait3A_27 : memref<1x16xf32, #tpu.memory_space<hbm>> -> memref<16xf32, #tpu.memory_space<hbm>>
      tpu.wait_dma2 semaphore(%run_scoped3A : memref<!tpu.dma_semaphore, #tpu.memory_space<semaphore_mem>>) src(%arg9 : memref<16xf32, #tpu.memory_space<vmem>>) dst(%dma_wait3A_28 : memref<16xf32, #tpu.memory_space<hbm>>)
      tpu.yield
    }) : () -> ()
    return
  }
}

</mosaic_0001>

<sc_bundles>
// kernel: _ganloss.3.cloned.1.call-start
scs
__scs_entry_jumppad:
0x0: {  	(pc) =	sbr.rel $0x88, $3  }
0x1: {  	(tag) =	ssettag $0x0;
	lr =	simm.s32 $0x1  }
0x2: {  	[smem:$0x3F9E] =	sst lr;
	_ =	strace $0xD0000000  }
0x3: {  	_ = 	snop  }
0x4: {  	_ = 	snop  }
0x5: {  	_ = 	snop  }
0x6: {  	_ = 	snop  }
0x7: {  	_ = 	snop  }
__scs_overlays_trampoline_lowered:
0x8: {  	[smem:$0x3FAD] =	sst s0  }
0x9: {  	[smem:$0x3FAE] =	sst s1  }
0xa: {  	[smem:$0x3FAF] =	sst s2  }
0xb: {  	[smem:$0x3FB0] =	sst s3  }
0xc: {  	[smem:$0x3FB1] =	sst s4  }
0xd: {  	[smem:$0x3FB2] =	sst s5  }
0xe: {  	[smem:$0x3FB3] =	sst s6  }
0xf: {  	[smem:$0x3FB4] =	sst s7  }
0x10: {  	[smem:$0x3FB5] =	sst s8  }
0x11: {  	[smem:$0x3FB6] =	sst s9;
	s0 =	simm.s32 @!p0 $0x0  }
0x12: {  	s1 =	sld [smem:$0x3F9C];
	s0 =	simm.s32 @p0 $0x1  }
0x13: {  	[smem:$0x3FB7] =	sst s0;
	s0 =	simm.s32 @!p1 $0x0  }
0x14: {  	s2 =	sld [smem:$0x3F9B];
	s0 =	simm.s32 @p1 $0x1  }
0x15: {  	[smem:$0x3FB8] =	sst s0;
	s0 =	simm.s32 @!p2 $0x0  }
0x16: {  	s3 =	sld [smem:$0x3FDB];
	s0 =	simm.s32 @p2 $0x1  }
0x17: {  	s4 =	simm.s32 $0x1BF5;
	[smem:$0x3FBA] =	sst s0  }
0x18: {  	s0 =	sld [smem:$0x3F9D];
	_ =	swait.ge [sflag:s4], $0x0  }
0x19: {  	s7 =	sld [smem:$0x3F9E]  }
0x1a: {  	s8 =	sadd.s32 $0xFFFFE003, lr  }
0x1b: {  	s9 =	sadd.s32 $0xFFFFFEF7, lr;
	s5 =	simm.s32 $0xFFFFFFFF;
	p2 =	slt.u32 s8, $0xFFFFF086  }
0x1c: {  	p1 =	slt.u32 s9, $0xF7A;
	s5 =	simm.s32 @!p2 $0x0  }
0x1d: {  	s5 =	simm.s32 @p1 $0x1;
	p0 =	seq.s32 s7, s2  }
0x1e: {  	s7 =	smul.u32 @!p0 $0xF7A, s2;
	p2 =	seq.s32 @!p0 s5, $0x0  }
0x1f: {  	s9 =	smul.u32 $0xF7A, s1;
	s8 =	simm.s32 @!p0 $0x1BF5;
	p2 =	por !p2, p0  }
0x20: {  	[sflag:s8] =	ssyncset.s32 @!p0 $0xFFFFF086;
	s6 =	sadd.s32 @!p0 s3, s7;
	s7 =	simm.s32 @!p0 $0x108  }
0x21: {  	s3 =	sadd.s32 s3, s9;
	s6 =	sadd.s32 @!p0 $0x88, s6;
	s7 =	simm.s32 @p2 $0x1082  }
0x22: {  	[simem:s7], [sflag:s8] =	dma.local @!p0 [hbm:s6], $0xF7A  }
0x23: {  	s9 =	sor.u32 $0xD0000000, s2;
	s6 =	simm.s32 $0x108;
	_ =	swait.ge @!p0 [sflag:s8], $0x0  }
0x24: {  	s3 =	sadd.s32 $0x88, s3;
	s6 =	simm.s32 @!p1 $0x1082;
	[sflag:s4] =	ssyncset.s32 $0xFFFFF086  }
0x25: {  	[simem:s6], [sflag:s4] =	dma.local [hbm:s3], $0xF7A  }
0x26: {  	[smem:$0x3F9E] =	sst s1;
	(tag) =	ssettag s2;
	_ =	strace s9  }
0x27: {  	s1 =	sld [smem:$0x3FAE]  }
0x28: {  	s2 =	sld [smem:$0x3FAF]  }
0x29: {  	s4 =	sld [smem:$0x3FB1]  }
0x2a: {  	p0 =	seq.s32 s5, $0x0;
	s5 =	sld [smem:$0x3FB2]  }
0x2b: {  	s6 =	sld [smem:$0x3FB3]  }
0x2c: {  	s7 =	sld [smem:$0x3FB4]  }
0x2d: {  	s3 =	simm.s32 $0x108;
	s8 =	sld [smem:$0x3FB5]  }
0x2e: {  	s3 =	simm.s32 @!p0 $0x1082;
	s9 =	sld [smem:$0x3FB6]  }
0x2f: {  	lr =	sadd.s32 s0, s3;
	s0 =	sld [smem:$0x3FAD]  }
0x30: {  	s3 =	sld [smem:$0x3FB0]  }
0x31: {  	[smem:$0x3FB9] =	sst s10  }
0x32: {  	s10 =	sld [smem:$0x3FB7];
	_ =	sdelay $0x3  }
0x33: {  	p0 =	seq.s32 s10, $0x1;
	s10 =	sld [smem:$0x3FB9];
	_ =	sdelay $0x3  }
0x34: {  	[smem:$0x3FB9] =	sst s10  }
0x35: {  	s10 =	sld [smem:$0x3FB8];
	_ =	sdelay $0x3  }
0x36: {  	p1 =	seq.s32 s10, $0x1;
	s10 =	sld [smem:$0x3FB9];
	_ =	sdelay $0x3  }
0x37: {  	[smem:$0x3FB9] =	sst s10  }
0x38: {  	s10 =	sld [smem:$0x3FBA]  }
0x39: {  	_ = 	snop;
	(pc) =	sbr.ind lr, $3  }
0x3a: {  	_ = 	snop  }
0x3b: {  	_ = 	snop  }
0x3c: {  	p2 =	seq.s32 s10, $0x1;
	s10 =	sld [smem:$0x3FB9]  }
0x3d: {  	_ =	shalt  }
0x3e: {  	_ =	shalt  }
0x3f: {  	_ =	shalt  }
0x40: {  	_ =	shalt  }
0x41: {  	_ =	shalt  }
0x42: {  	_ =	shalt  }
0x43: {  	_ =	shalt  }
0x44: {  	_ =	shalt  }
0x45: {  	_ =	shalt  }
0x46: {  	_ =	shalt  }
0x47: {  	_ =	shalt  }
0x48: {  	_ =	shalt  }
0x49: {  	_ =	shalt  }
0x4a: {  	_ =	shalt  }
0x4b: {  	_ =	shalt  }
0x4c: {  	_ =	shalt  }
0x4d: {  	_ =	shalt  }
0x4e: {  	_ =	shalt  }
0x4f: {  	_ =	shalt  }
0x50: {  	_ =	shalt  }
0x51: {  	_ =	shalt  }
0x52: {  	_ =	shalt  }
0x53: {  	_ =	shalt  }
0x54: {  	_ =	shalt  }
0x55: {  	_ =	shalt  }
0x56: {  	_ =	shalt  }
0x57: {  	_ =	shalt  }
0x58: {  	_ =	shalt  }
0x59: {  	_ =	shalt  }
0x5a: {  	_ =	shalt  }
0x5b: {  	_ =	shalt  }
0x5c: {  	_ =	shalt  }
0x5d: {  	_ =	shalt  }
0x5e: {  	_ =	shalt  }
0x5f: {  	_ =	shalt  }
0x60: {  	_ =	shalt  }
0x61: {  	_ =	shalt  }
0x62: {  	_ =	shalt  }
0x63: {  	_ =	shalt  }
0x64: {  	_ =	shalt  }
0x65: {  	_ =	shalt  }
0x66: {  	_ =	shalt  }
0x67: {  	_ =	shalt  }
0x68: {  	_ =	shalt  }
0x69: {  	_ =	shalt  }
0x6a: {  	_ =	shalt  }
0x6b: {  	_ =	shalt  }
0x6c: {  	_ =	shalt  }
0x6d: {  	_ =	shalt  }
0x6e: {  	_ =	shalt  }
0x6f: {  	_ =	shalt  }
0x70: {  	_ =	shalt  }
0x71: {  	_ =	shalt  }
0x72: {  	_ =	shalt  }
0x73: {  	_ =	shalt  }
0x74: {  	_ =	shalt  }
0x75: {  	_ =	shalt  }
0x76: {  	_ =	shalt  }
0x77: {  	_ =	shalt  }
0x78: {  	_ =	shalt  }
0x79: {  	_ =	shalt  }
0x7a: {  	_ =	shalt  }
0x7b: {  	_ =	shalt  }
0x7c: {  	_ =	shalt  }
0x7d: {  	_ =	shalt  }
0x7e: {  	_ =	shalt  }
0x7f: {  	_ =	shalt  }
0x80: {  	_ =	shalt  }
0x81: {  	_ =	shalt  }
0x82: {  	_ =	shalt  }
0x83: {  	_ =	shalt  }
0x84: {  	_ =	shalt  }
0x85: {  	_ =	shalt  }
0x86: {  	_ =	shalt  }
0x87: {  	_ =	shalt  }
.Lfunc_end0:
.L_simem_size_0:
called_computation_lowered:
.L_overlay_start_0:
0x88: {  	s2 =	sld [smem:$0x3FD9]  }
0x89: {  	s3 =	sld [smem:$0x3FFE];
	_ =	sdelay $0x1  }
0x8a: {  	s1 =	srdreg.scid  }
0x8b: {  	s0 =	sand.u32 $0x1, s1  }
0x8c: {  	s17 =	sshll.u32 s0, $0xA;
	s2 =	sadd.s32 s3, s2  }
0x8d: {  	s2 =	sadd.s32 s2, s17  }
0x8e: {  	[smem:$0x3FC5] =	sst s2  }
0x8f: {  	_ = 	snop  }
0x90: {  	s2 =	sld [smem:$0x3FC9]  }
0x91: {  	s18 =	sld [smem:$0x3FC8]  }
0x92: {  	s4 =	sld [smem:$0x3FC7];
	(tm) =	ssettm $0x1  }
0x93: {  	s5 =	sld [smem:$0x3FFB];
	_ =	sdelay $0x3  }
0x94: {  	_ =	strace s5  }
0x95: {  	s5 =	sld [smem:$0x3FFC];
	_ =	sdelay $0x3  }
0x96: {  	_ =	strace s5  }
0x97: {  	s5 =	sld [smem:$0x3FFD];
	_ =	sdelay $0x3  }
0x98: {  	_ =	strace s5  }
0x99: {  	_ =	strace $0x8FFFFFFF  }
0x9a: {  	s19 =	sld [smem:$0x3FDB];
	_ =	sdelay $0x1  }
0x9b: {  	s6 =	simm.s32 $_scs_section_size  }
0x9c: {  	s7 =	simm.s32 $_size__tile_overlayer_lowered;
	s8 =	simm.s32 $_tile_overlayer_lowered  }
0x9d: {  	s22 =	simm.s32 $0x1BFF;
	s21 =	sshll.u32 s8, $0x1;
	s5 =	sadd.s32 s6, s19  }
0x9e: {  	s9 =	simm.s32 $0x0;
	s20 =	sshll.u32 s7, $0x1;
	s7 =	sadd.s32 s21, s5  }
0x9f: {  	[timem:s9], [sflag:s22] =	dma.local [hbm:s7], s20  }
0xa0: {  	_ =	swait.ge [sflag:s22], s20  }
0xa1: {  	s6 =	ssub.s32 $0x0, s20;
	[sflag:s22] =	ssyncset.done $0x0  }
0xa2: {  	[sflag:s22] =	ssyncadd.s32 s6;
	_ =	sdelay $0x1  }
0xa3: {  	s23 =	simm.s32 $0x1B8B  }
0xa4: {  	_ =	swait.ge [sflag:s23], $0x1  }
0xa5: {  	[sflag:s23] =	ssyncset.done $0x0  }
0xa6: {  	s25 =	simm.s32 $0x1B8E;
	s24 =	sld [smem:$0x3FFE];
	[sflag:s23] =	ssyncadd.s32 $0xFFFFFFFF  }
0xa7: {  	s26 =	simm.s32 $execute0_lowered;
	[smem:$0x3FD2] =	sst s25  }
0xa8: {  	s7 =	sshll.u32 s26, $0x1;
	_ =	strace $0x80000046;
	[dreg:$0x1] =	wrdreg $0xFFFFFFFF  }
0xa9: {  	s28 =	simm.s32 $_size_execute0_lowered;
	s5 =	sadd.s32 s5, s7;
	[dreg:$0x0] =	wrdreg $0x0  }
0xaa: {  	s7 =	sshll.u32 s28, $0x1;
	[dreg:$0x2] =	wrdreg s5  }
0xab: {  	[dreg:$0x3] =	wrdreg s7  }
0xac: {  	[dreg:$0x4] =	wrdreg $0xC0  }
0xad: {  	_ =	task [dreg:s9], $0x5FFFF  }
0xae: {  	[dreg:$0x1] =	wrdreg $0xFFFFFFFF  }
0xaf: {  	[dreg:$0x0] =	wrdreg $0x60  }
0xb0: {  	[dreg:$0x2] =	wrdreg s2  }
0xb1: {  	[dreg:$0x3] =	wrdreg s18  }
0xb2: {  	[dreg:$0x4] =	wrdreg s4  }
0xb3: {  	[dreg:$0x5] =	wrdreg s24  }
0xb4: {  	[dreg:$0x6] =	wrdreg $0x9  }
0xb5: {  	_ =	task.clear_ibuf [dreg:s9], $0x7FFFF;
	_ =	strace $0x90000046  }
0xb6: {  	s29 =	simm.s32 $0x9;
	_ =	strace $0x80000048  }
0xb7: {  	_ =	swait.ge [sflag:s29], $0x1  }
0xb8: {  	[sflag:s29] =	ssyncadd.s32 $0xFFFFFFFF  }
0xb9: {  	_ =	strace $0x90000048  }
0xba: {  	_ =	sfence  }
0xbb: {  	s30 =	sld [smem:$0x0];
	_ =	sdelay $0x2  }
0xbc: {  	s31 =	sshll.u32 s1, $0xD;
	s1 =	sshrl.u32 s1, $0x2  }
0xbd: {  	s3 =	sand.u32 $0x4000, s31;
	s1 =	sadd.s32 s1, s30  }
0xbe: {  	s0 =	sor.u32 s3, s0;
	s1 =	sshll.u32 s1, $0x11  }
0xbf: {  	s0 =	sor.u32 s1, s0  }
0xc0: {  	s0 =	sadd.s32 $0x8F2B, s0  }
0xc1: {  	[sflag:s0] =	ssyncadd.remote.s32 $0x1  }
0xc2: {  	_ =	sfence.sel $0xFFFF  }
0xc3: {  	[dreg:$0x0] =	wrdreg $0xFFFFFFFF;
	(pc) =	sbr.abs _section_cstart, $3  }
0xc4: {  	[dreg:$0x1] =	wrdreg $0xFFFFFFFF  }
0xc5: {  	_ =	task.clear_ibuf [dreg:s9], $0x2FFFF;
	_ =	strace $0x9FFFFFFF  }
0xc6: {  	(tm) =	ssettm $0x7FFFFFFF  }
0xc7: {  	_ =	shalt  }
tec
execute0_lowered:
.L_overlay_start_1:
0x0: {  	(tag) =	ssettag $0x1  }
0x1: {  	s5 =	rddreg [dreg:$0x0]  }
0x2: {  	s3 =	rddreg [dreg:$0x1]  }
0x3: {  	s4 =	rddreg [dreg:$0x2]  }
0x4: {  	s6 =	rddreg [dreg:$0x3];
	s2 =	srdreg.scid  }
0x5: {  	s0 =	rddreg [dreg:$0x4];
	s1 =	stileid.u32;
	s11 =	simm.s32 $0x400  }
0x6: {  	s12 =	simm.s32 $0x10400;
	s13 =	simm.s32 $0x0;
	s7 =	sand.u32 $0x1, s2  }
0x7: {  	v0 =	vlaneseq.u32;
	s2 =	simm.s32 $0x0;
	s9 =	sshll.u32 s1, $0x1;
	s31 =	sshll.u32 s1, $0xA  }
0x8: {  	v1 =	vimm.s32 $0x7;
	v2 =	vimm.s32 $0x0;
	vm0 =	vmmov $0x1;
	s8 =	ssub.s32 $0x2, s7;
	[smem:$0x7FF] =	sst s2;
	s9 =	sor.u32 s7, s9  }
0x9: {  	v4 =	vimm.s32 $0x1;
	v5 =	vimm.s32 $0x2;
	v6 =	vimm.s32 $0x3;
	s7 =	sshll.u32 s7, $0x9;
	s10 =	sshrl.u32 s8, $0x1;
	_ =	strace $0x80000047  }
0xa: {  	v7 =	vimm.s32 $0x4;
	v8 =	vimm.s32 $0x5;
	v9 =	vimm.s32 $0x6;
	s30 =	sshll.u32 s9, $0x6;
	s9 =	sshll.u32 s9, $0x4;
	s8 =	ssub.s32 s8, s10  }
0xb: {  	v10 =	vimm.s32 $0x8;
	v11 =	vimm.s32 $0x9;
	v12 =	vimm.s32 $0xA;
	s3 =	sadd.s32 s3, s30;
	s4 =	sadd.s32 s4, s30;
	s10 =	sadd.s32 s31, s5  }
0xc: {  	v13 =	vimm.s32 $0xB;
	v14 =	vimm.s32 $0xC;
	v15 =	vimm.s32 $0xD;
	s5 =	sadd.s32 s6, s9;
	s9 =	simm.s32 $0x200;
	s6 =	smax.u32 s8, $0x1  }
0xd: {  	v16 =	vimm.s32 $0xE;
	v17 =	vimm.s32 $0xF;
	v3 =	vmul.u32 $0x8, v0;
	s7 =	sadd.s32 s7, s10;
	s8 =	simm.s32 $0x2;
	s10 =	simm.s32 $0x1  }
.LBB2_1:
0xe: {  	[tilespmem:s2], [sflag:$0x2] =	stream.linear.gather [hbm4b:s3+s2], $0x200, $0x38;
	[tilespmem:$0x10480] =	vst v63  }
0xf: {  	_ =	swait.ge [sflag:s8], $0x200  }
0x10: {  	[sflag:s8] =	ssyncset.done $0x0  }
0x11: {  	[sflag:s8] =	ssyncadd.s32 $0xFFFFFE00  }
0x12: {  	[tilespmem:s9], [sflag:$0x2] =	stream.linear.gather [hbm4b:s4+s2], $0x200, $0x38;
	[tilespmem:$0x10480] =	vst v63  }
0x13: {  	_ =	swait.ge [sflag:s8], $0x200  }
0x14: {  	s15 =	simm.s32 $0x40;
	[sflag:s8] =	ssyncset.done $0x0  }
0x15: {  	s16 =	smov.u32 s7;
	s17 =	simm.s32 $0x0;
	[sflag:s8] =	ssyncadd.s32 $0xFFFFFE00  }
.LBB2_2:
0x16: {  	v18 =	vld [tilespmem:s15+$0xFFFFFFC0];
	_ =	sdelay $0x4  }
0x17: {  	v19 =	vshll.u32 v18, $0x7  }
0x18: {  	v18 =	vand.u32 $0x7, v18;
	v19 =	vand.u32 $0xFFFFFC00, v19  }
0x19: {  	v18 =	vor.u32 v18, v19  }
0x1a: {  	v19 =	vperm.xlane v18, v2;
	_ =	sdelay $0x1  }
0x1b: {  	v20 =	vperm.xlane v18, v4;
	v19 =	vadd.s32 v3, v19;
	_ =	sdelay $0x1  }
0x1c: {  	v21 =	vperm.xlane v18, v5;
	v20 =	vadd.s32 v3, v20  }
0x1d: {  	s18 =	sshra.s32 s17, $0x2  }
0x1e: {  	s14 =	simm.s32 $0x0;
	s19 =	sadd.s32 $0x400, s18;
	v22 =	vperm.xlane v18, v6;
	v21 =	vadd.s32 v3, v21  }
0x1f: {  	[tilespmem:s19], [sflag:$0x1] =	stream.indirect_vreg.gather [hbm4b:s16+s14], $0x80, v19, vm0, $0xb8;
	[tilespmem:$0x10480] =	vst v63  }
0x20: {  	s26 =	sadd.s32 $0x480, s18;
	v51 =	vperm.xlane v18, v7;
	v19 =	vadd.s32 v3, v22  }
0x21: {  	[tilespmem:s26], [sflag:$0x1] =	stream.indirect_vreg.gather [hbm4b:s16+s14], $0x80, v20, vm0, $0xb8;
	[tilespmem:$0x10480] =	vst v63  }
0x22: {  	s28 =	sadd.s32 $0x500, s18;
	v53 =	vperm.xlane v18, v8;
	v52 =	vadd.s32 v3, v51  }
0x23: {  	[tilespmem:s28], [sflag:$0x1] =	stream.indirect_vreg.gather [hbm4b:s16+s14], $0x80, v21, vm0, $0xb8;
	[tilespmem:$0x10480] =	vst v63  }
0x24: {  	s29 =	sadd.s32 $0x580, s18;
	v55 =	vperm.xlane v18, v9;
	v54 =	vadd.s32 v3, v53  }
0x25: {  	[tilespmem:s29], [sflag:$0x1] =	stream.indirect_vreg.gather [hbm4b:s16+s14], $0x80, v19, vm0, $0xb8;
	[tilespmem:$0x10480] =	vst v63  }
0x26: {  	s30 =	sadd.s32 $0x600, s18;
	v56 =	vperm.xlane v18, v1;
	v19 =	vadd.s32 v3, v55  }
0x27: {  	[tilespmem:s30], [sflag:$0x1] =	stream.indirect_vreg.gather [hbm4b:s16+s14], $0x80, v52, vm0, $0xb8;
	[tilespmem:$0x10480] =	vst v63  }
0x28: {  	s31 =	sadd.s32 $0x680, s18;
	v58 =	vperm.xlane v18, v10;
	v57 =	vadd.s32 v3, v56  }
0x29: {  	[tilespmem:s31], [sflag:$0x1] =	stream.indirect_vreg.gather [hbm4b:s16+s14], $0x80, v54, vm0, $0xb8;
	[tilespmem:$0x10480] =	vst v63  }
0x2a: {  	s20 =	sadd.s32 $0x700, s18;
	v60 =	vperm.xlane v18, v11;
	v59 =	vadd.s32 v3, v58  }
0x2b: {  	[tilespmem:s20], [sflag:$0x1] =	stream.indirect_vreg.gather [hbm4b:s16+s14], $0x80, v19, vm0, $0xb8;
	[tilespmem:$0x10480] =	vst v63  }
0x2c: {  	s21 =	sadd.s32 $0x780, s18;
	v61 =	vperm.xlane v18, v12;
	v19 =	vadd.s32 v3, v60  }
0x2d: {  	[tilespmem:s21], [sflag:$0x1] =	stream.indirect_vreg.gather [hbm4b:s16+s14], $0x80, v57, vm0, $0xb8;
	[tilespmem:$0x10480] =	vst v63  }
0x2e: {  	s22 =	sadd.s32 $0x800, s18;
	v63 =	vperm.xlane v18, v13;
	v62 =	vadd.s32 v3, v61  }
0x2f: {  	[tilespmem:s22], [sflag:$0x1] =	stream.indirect_vreg.gather [hbm4b:s16+s14], $0x80, v59, vm0, $0xb8;
	[tilespmem:$0x10480] =	vst v63  }
0x30: {  	s23 =	sadd.s32 $0x880, s18;
	v25 =	vperm.xlane v18, v14;
	v24 =	vadd.s32 v3, v63  }
0x31: {  	[tilespmem:s23], [sflag:$0x1] =	stream.indirect_vreg.gather [hbm4b:s16+s14], $0x80, v19, vm0, $0xb8;
	[tilespmem:$0x10480] =	vst v63  }
0x32: {  	s24 =	sadd.s32 $0x900, s18;
	v26 =	vperm.xlane v18, v15;
	v19 =	vadd.s32 v3, v25  }
0x33: {  	[tilespmem:s24], [sflag:$0x1] =	stream.indirect_vreg.gather [hbm4b:s16+s14], $0x80, v62, vm0, $0xb8;
	[tilespmem:$0x10480] =	vst v63  }
0x34: {  	s25 =	sadd.s32 $0x980, s18;
	v28 =	vperm.xlane v18, v16;
	v27 =	vadd.s32 v3, v26  }
0x35: {  	[tilespmem:s25], [sflag:$0x1] =	stream.indirect_vreg.gather [hbm4b:s16+s14], $0x80, v24, vm0, $0xb8;
	[tilespmem:$0x10480] =	vst v63  }
0x36: {  	v18 =	vperm.xlane v18, v17;
	v29 =	vadd.s32 v3, v28;
	s26 =	sadd.s32 $0xA00, s18  }
0x37: {  	[tilespmem:s26], [sflag:$0x1] =	stream.indirect_vreg.gather [hbm4b:s16+s14], $0x80, v19, vm0, $0xb8;
	[tilespmem:$0x10480] =	vst v63  }
0x38: {  	v18 =	vadd.s32 v3, v18;
	s28 =	sadd.s32 $0xA80, s18  }
0x39: {  	[tilespmem:s28], [sflag:$0x1] =	stream.indirect_vreg.gather [hbm4b:s16+s14], $0x80, v27, vm0, $0xb8;
	[tilespmem:$0x10480] =	vst v63  }
0x3a: {  	s29 =	sadd.s32 $0xB00, s18  }
0x3b: {  	[tilespmem:s29], [sflag:$0x1] =	stream.indirect_vreg.gather [hbm4b:s16+s14], $0x80, v29, vm0, $0xb8;
	[tilespmem:$0x10480] =	vst v63  }
0x3c: {  	s30 =	sadd.s32 $0xB80, s18  }
0x3d: {  	[tilespmem:s30], [sflag:$0x1] =	stream.indirect_vreg.gather [hbm4b:s16+s14], $0x80, v18, vm0, $0xb8;
	[tilespmem:$0x10480] =	vst v63  }
0x3e: {  	v18 =	vld [tilespmem:s15+$0xFFFFFFD0];
	_ =	sdelay $0x4  }
0x3f: {  	v19 =	vshll.u32 v18, $0x7  }
0x40: {  	v18 =	vand.u32 $0x7, v18;
	v19 =	vand.u32 $0xFFFFFC00, v19  }
0x41: {  	v18 =	vor.u32 v18, v19  }
0x42: {  	v19 =	vperm.xlane v18, v2;
	_ =	sdelay $0x1  }
0x43: {  	v30 =	vperm.xlane v18, v4;
	v19 =	vadd.s32 v3, v19;
	_ =	sdelay $0x1  }
0x44: {  	v31 =	vperm.xlane v18, v5;
	v20 =	vadd.s32 v3, v30;
	_ =	sdelay $0x1  }
0x45: {  	s31 =	sadd.s32 $0xC00, s18;
	v32 =	vperm.xlane v18, v6;
	v21 =	vadd.s32 v3, v31  }
0x46: {  	[tilespmem:s31], [sflag:$0x1] =	stream.indirect_vreg.gather [hbm4b:s16+s14], $0x80, v19, vm0, $0xb8;
	[tilespmem:$0x10480] =	vst v63  }
0x47: {  	s20 =	sadd.s32 $0xC80, s18;
	v33 =	vperm.xlane v18, v7;
	v19 =	vadd.s32 v3, v32  }
0x48: {  	[tilespmem:s20], [sflag:$0x1] =	stream.indirect_vreg.gather [hbm4b:s16+s14], $0x80, v20, vm0, $0xb8;
	[tilespmem:$0x10480] =	vst v63  }
0x49: {  	s21 =	sadd.s32 $0xD00, s18;
	v35 =	vperm.xlane v18, v8;
	v34 =	vadd.s32 v3, v33  }
0x4a: {  	[tilespmem:s21], [sflag:$0x1] =	stream.indirect_vreg.gather [hbm4b:s16+s14], $0x80, v21, vm0, $0xb8;
	[tilespmem:$0x10480] =	vst v63  }
0x4b: {  	s22 =	sadd.s32 $0xD80, s18;
	v37 =	vperm.xlane v18, v9;
	v36 =	vadd.s32 v3, v35  }
0x4c: {  	[tilespmem:s22], [sflag:$0x1] =	stream.indirect_vreg.gather [hbm4b:s16+s14], $0x80, v19, vm0, $0xb8;
	[tilespmem:$0x10480] =	vst v63  }
0x4d: {  	s23 =	sadd.s32 $0xE00, s18;
	v38 =	vperm.xlane v18, v1;
	v19 =	vadd.s32 v3, v37  }
0x4e: {  	[tilespmem:s23], [sflag:$0x1] =	stream.indirect_vreg.gather [hbm4b:s16+s14], $0x80, v34, vm0, $0xb8;
	[tilespmem:$0x10480] =	vst v63  }
0x4f: {  	s24 =	sadd.s32 $0xE80, s18;
	v40 =	vperm.xlane v18, v10;
	v39 =	vadd.s32 v3, v38  }
0x50: {  	[tilespmem:s24], [sflag:$0x1] =	stream.indirect_vreg.gather [hbm4b:s16+s14], $0x80, v36, vm0, $0xb8;
	[tilespmem:$0x10480] =	vst v63  }
0x51: {  	s25 =	sadd.s32 $0xF00, s18;
	v42 =	vperm.xlane v18, v11;
	v41 =	vadd.s32 v3, v40  }
0x52: {  	[tilespmem:s25], [sflag:$0x1] =	stream.indirect_vreg.gather [hbm4b:s16+s14], $0x80, v19, vm0, $0xb8;
	[tilespmem:$0x10480] =	vst v63  }
0x53: {  	s26 =	sadd.s32 $0xF80, s18;
	v43 =	vperm.xlane v18, v12;
	v19 =	vadd.s32 v3, v42  }
0x54: {  	[tilespmem:s26], [sflag:$0x1] =	stream.indirect_vreg.gather [hbm4b:s16+s14], $0x80, v39, vm0, $0xb8;
	[tilespmem:$0x10480] =	vst v63  }
0x55: {  	s28 =	sadd.s32 $0x1000, s18;
	v45 =	vperm.xlane v18, v13;
	v44 =	vadd.s32 v3, v43  }
0x56: {  	[tilespmem:s28], [sflag:$0x1] =	stream.indirect_vreg.gather [hbm4b:s16+s14], $0x80, v41, vm0, $0xb8;
	[tilespmem:$0x10480] =	vst v63  }
0x57: {  	s29 =	sadd.s32 $0x1080, s18;
	v47 =	vperm.xlane v18, v14;
	v46 =	vadd.s32 v3, v45  }
0x58: {  	[tilespmem:s29], [sflag:$0x1] =	stream.indirect_vreg.gather [hbm4b:s16+s14], $0x80, v19, vm0, $0xb8;
	[tilespmem:$0x10480] =	vst v63  }
0x59: {  	s30 =	sadd.s32 $0x1100, s18;
	v48 =	vperm.xlane v18, v15;
	v19 =	vadd.s32 v3, v47  }
0x5a: {  	[tilespmem:s30], [sflag:$0x1] =	stream.indirect_vreg.gather [hbm4b:s16+s14], $0x80, v44, vm0, $0xb8;
	[tilespmem:$0x10480] =	vst v63  }
0x5b: {  	v50 =	vperm.xlane v18, v16;
	v49 =	vadd.s32 v3, v48;
	s31 =	sadd.s32 $0x1180, s18  }
0x5c: {  	[tilespmem:s31], [sflag:$0x1] =	stream.indirect_vreg.gather [hbm4b:s16+s14], $0x80, v46, vm0, $0xb8;
	[tilespmem:$0x10480] =	vst v63  }
0x5d: {  	v18 =	vperm.xlane v18, v17;
	v51 =	vadd.s32 v3, v50;
	s20 =	sadd.s32 $0x1200, s18  }
0x5e: {  	[tilespmem:s20], [sflag:$0x1] =	stream.indirect_vreg.gather [hbm4b:s16+s14], $0x80, v19, vm0, $0xb8;
	[tilespmem:$0x10480] =	vst v63  }
0x5f: {  	v18 =	vadd.s32 v3, v18;
	s21 =	sadd.s32 $0x1280, s18  }
0x60: {  	[tilespmem:s21], [sflag:$0x1] =	stream.indirect_vreg.gather [hbm4b:s16+s14], $0x80, v49, vm0, $0xb8;
	[tilespmem:$0x10480] =	vst v63  }
0x61: {  	s22 =	sadd.s32 $0x1300, s18  }
0x62: {  	[tilespmem:s22], [sflag:$0x1] =	stream.indirect_vreg.gather [hbm4b:s16+s14], $0x80, v51, vm0, $0xb8;
	[tilespmem:$0x10480] =	vst v63  }
0x63: {  	s23 =	sadd.s32 $0x1380, s18  }
0x64: {  	[tilespmem:s23], [sflag:$0x1] =	stream.indirect_vreg.gather [hbm4b:s16+s14], $0x80, v18, vm0, $0xb8;
	[tilespmem:$0x10480] =	vst v63  }
0x65: {  	v18 =	vld [tilespmem:s15+$0xFFFFFFE0];
	_ =	sdelay $0x4  }
0x66: {  	v19 =	vshll.u32 v18, $0x7  }
0x67: {  	v18 =	vand.u32 $0x7, v18;
	v19 =	vand.u32 $0xFFFFFC00, v19  }
0x68: {  	v18 =	vor.u32 v18, v19  }
0x69: {  	v19 =	vperm.xlane v18, v2;
	_ =	sdelay $0x1  }
0x6a: {  	v52 =	vperm.xlane v18, v4;
	v19 =	vadd.s32 v3, v19;
	_ =	sdelay $0x1  }
0x6b: {  	v53 =	vperm.xlane v18, v5;
	v20 =	vadd.s32 v3, v52;
	_ =	sdelay $0x1  }
0x6c: {  	s24 =	sadd.s32 $0x1400, s18;
	v54 =	vperm.xlane v18, v6;
	v21 =	vadd.s32 v3, v53  }
0x6d: {  	[tilespmem:s24], [sflag:$0x1] =	stream.indirect_vreg.gather [hbm4b:s16+s14], $0x80, v19, vm0, $0xb8;
	[tilespmem:$0x10480] =	vst v63  }
0x6e: {  	s25 =	sadd.s32 $0x1480, s18;
	v55 =	vperm.xlane v18, v7;
	v19 =	vadd.s32 v3, v54  }
0x6f: {  	[tilespmem:s25], [sflag:$0x1] =	stream.indirect_vreg.gather [hbm4b:s16+s14], $0x80, v20, vm0, $0xb8;
	[tilespmem:$0x10480] =	vst v63  }
0x70: {  	s26 =	sadd.s32 $0x1500, s18;
	v57 =	vperm.xlane v18, v8;
	v56 =	vadd.s32 v3, v55  }
0x71: {  	[tilespmem:s26], [sflag:$0x1] =	stream.indirect_vreg.gather [hbm4b:s16+s14], $0x80, v21, vm0, $0xb8;
	[tilespmem:$0x10480] =	vst v63  }
0x72: {  	s28 =	sadd.s32 $0x1580, s18;
	v59 =	vperm.xlane v18, v9;
	v58 =	vadd.s32 v3, v57  }
0x73: {  	[tilespmem:s28], [sflag:$0x1] =	stream.indirect_vreg.gather [hbm4b:s16+s14], $0x80, v19, vm0, $0xb8;
	[tilespmem:$0x10480] =	vst v63  }
0x74: {  	s29 =	sadd.s32 $0x1600, s18;
	v60 =	vperm.xlane v18, v1;
	v19 =	vadd.s32 v3, v59  }
0x75: {  	[tilespmem:s29], [sflag:$0x1] =	stream.indirect_vreg.gather [hbm4b:s16+s14], $0x80, v56, vm0, $0xb8;
	[tilespmem:$0x10480] =	vst v63  }
0x76: {  	s30 =	sadd.s32 $0x1680, s18;
	v62 =	vperm.xlane v18, v10;
	v61 =	vadd.s32 v3, v60  }
0x77: {  	[tilespmem:s30], [sflag:$0x1] =	stream.indirect_vreg.gather [hbm4b:s16+s14], $0x80, v58, vm0, $0xb8;
	[tilespmem:$0x10480] =	vst v63  }
0x78: {  	s31 =	sadd.s32 $0x1700, s18;
	v24 =	vperm.xlane v18, v11;
	v63 =	vadd.s32 v3, v62  }
0x79: {  	[tilespmem:s31], [sflag:$0x1] =	stream.indirect_vreg.gather [hbm4b:s16+s14], $0x80, v19, vm0, $0xb8;
	[tilespmem:$0x10480] =	vst v63  }
0x7a: {  	s20 =	sadd.s32 $0x1780, s18;
	v25 =	vperm.xlane v18, v12;
	v19 =	vadd.s32 v3, v24  }
0x7b: {  	[tilespmem:s20], [sflag:$0x1] =	stream.indirect_vreg.gather [hbm4b:s16+s14], $0x80, v61, vm0, $0xb8;
	[tilespmem:$0x10480] =	vst v63  }
0x7c: {  	s21 =	sadd.s32 $0x1800, s18;
	v27 =	vperm.xlane v18, v13;
	v26 =	vadd.s32 v3, v25  }
0x7d: {  	[tilespmem:s21], [sflag:$0x1] =	stream.indirect_vreg.gather [hbm4b:s16+s14], $0x80, v63, vm0, $0xb8;
	[tilespmem:$0x10480] =	vst v63  }
0x7e: {  	s22 =	sadd.s32 $0x1880, s18;
	v29 =	vperm.xlane v18, v14;
	v28 =	vadd.s32 v3, v27  }
0x7f: {  	[tilespmem:s22], [sflag:$0x1] =	stream.indirect_vreg.gather [hbm4b:s16+s14], $0x80, v19, vm0, $0xb8;
	[tilespmem:$0x10480] =	vst v63  }
0x80: {  	s23 =	sadd.s32 $0x1900, s18;
	v30 =	vperm.xlane v18, v15;
	v19 =	vadd.s32 v3, v29  }
0x81: {  	[tilespmem:s23], [sflag:$0x1] =	stream.indirect_vreg.gather [hbm4b:s16+s14], $0x80, v26, vm0, $0xb8;
	[tilespmem:$0x10480] =	vst v63  }
0x82: {  	v32 =	vperm.xlane v18, v16;
	v31 =	vadd.s32 v3, v30;
	s24 =	sadd.s32 $0x1980, s18  }
0x83: {  	[tilespmem:s24], [sflag:$0x1] =	stream.indirect_vreg.gather [hbm4b:s16+s14], $0x80, v28, vm0, $0xb8;
	[tilespmem:$0x10480] =	vst v63  }
0x84: {  	v18 =	vperm.xlane v18, v17;
	v33 =	vadd.s32 v3, v32;
	s25 =	sadd.s32 $0x1A00, s18  }
0x85: {  	[tilespmem:s25], [sflag:$0x1] =	stream.indirect_vreg.gather [hbm4b:s16+s14], $0x80, v19, vm0, $0xb8;
	[tilespmem:$0x10480] =	vst v63  }
0x86: {  	v18 =	vadd.s32 v3, v18;
	s26 =	sadd.s32 $0x1A80, s18  }
0x87: {  	[tilespmem:s26], [sflag:$0x1] =	stream.indirect_vreg.gather [hbm4b:s16+s14], $0x80, v31, vm0, $0xb8;
	[tilespmem:$0x10480] =	vst v63  }
0x88: {  	s28 =	sadd.s32 $0x1B00, s18  }
0x89: {  	[tilespmem:s28], [sflag:$0x1] =	stream.indirect_vreg.gather [hbm4b:s16+s14], $0x80, v33, vm0, $0xb8;
	[tilespmem:$0x10480] =	vst v63  }
0x8a: {  	s29 =	sadd.s32 $0x1B80, s18  }
0x8b: {  	[tilespmem:s29], [sflag:$0x1] =	stream.indirect_vreg.gather [hbm4b:s16+s14], $0x80, v18, vm0, $0xb8;
	[tilespmem:$0x10480] =	vst v63  }
0x8c: {  	v18 =	vld [tilespmem:s15+$0xFFFFFFF0];
	_ =	sdelay $0x4  }
0x8d: {  	v19 =	vshll.u32 v18, $0x7  }
0x8e: {  	v18 =	vand.u32 $0x7, v18;
	v19 =	vand.u32 $0xFFFFFC00, v19  }
0x8f: {  	v18 =	vor.u32 v18, v19  }
0x90: {  	v19 =	vperm.xlane v18, v2;
	_ =	sdelay $0x1  }
0x91: {  	v34 =	vperm.xlane v18, v4;
	v19 =	vadd.s32 v3, v19;
	_ =	sdelay $0x1  }
0x92: {  	v35 =	vperm.xlane v18, v5;
	v20 =	vadd.s32 v3, v34;
	_ =	sdelay $0x1  }
0x93: {  	s30 =	sadd.s32 $0x1C00, s18;
	v36 =	vperm.xlane v18, v6;
	v21 =	vadd.s32 v3, v35  }
0x94: {  	[tilespmem:s30], [sflag:$0x1] =	stream.indirect_vreg.gather [hbm4b:s16+s14], $0x80, v19, vm0, $0xb8;
	[tilespmem:$0x10480] =	vst v63  }
0x95: {  	s31 =	sadd.s32 $0x1C80, s18;
	v37 =	vperm.xlane v18, v7;
	v19 =	vadd.s32 v3, v36  }
0x96: {  	[tilespmem:s31], [sflag:$0x1] =	stream.indirect_vreg.gather [hbm4b:s16+s14], $0x80, v20, vm0, $0xb8;
	[tilespmem:$0x10480] =	vst v63  }
0x97: {  	s20 =	sadd.s32 $0x1D00, s18;
	v39 =	vperm.xlane v18, v8;
	v38 =	vadd.s32 v3, v37  }
0x98: {  	[tilespmem:s20], [sflag:$0x1] =	stream.indirect_vreg.gather [hbm4b:s16+s14], $0x80, v21, vm0, $0xb8;
	[tilespmem:$0x10480] =	vst v63  }
0x99: {  	s21 =	sadd.s32 $0x1D80, s18;
	v41 =	vperm.xlane v18, v9;
	v40 =	vadd.s32 v3, v39  }
0x9a: {  	[tilespmem:s21], [sflag:$0x1] =	stream.indirect_vreg.gather [hbm4b:s16+s14], $0x80, v19, vm0, $0xb8;
	[tilespmem:$0x10480] =	vst v63  }
0x9b: {  	s22 =	sadd.s32 $0x1E00, s18;
	v42 =	vperm.xlane v18, v1;
	v19 =	vadd.s32 v3, v41  }
0x9c: {  	[tilespmem:s22], [sflag:$0x1] =	stream.indirect_vreg.gather [hbm4b:s16+s14], $0x80, v38, vm0, $0xb8;
	[tilespmem:$0x10480] =	vst v63  }
0x9d: {  	s23 =	sadd.s32 $0x1E80, s18;
	v44 =	vperm.xlane v18, v10;
	v43 =	vadd.s32 v3, v42  }
0x9e: {  	[tilespmem:s23], [sflag:$0x1] =	stream.indirect_vreg.gather [hbm4b:s16+s14], $0x80, v40, vm0, $0xb8;
	[tilespmem:$0x10480] =	vst v63  }
0x9f: {  	s24 =	sadd.s32 $0x1F00, s18;
	v46 =	vperm.xlane v18, v11;
	v45 =	vadd.s32 v3, v44  }
0xa0: {  	[tilespmem:s24], [sflag:$0x1] =	stream.indirect_vreg.gather [hbm4b:s16+s14], $0x80, v19, vm0, $0xb8;
	[tilespmem:$0x10480] =	vst v63  }
0xa1: {  	s25 =	sadd.s32 $0x1F80, s18;
	v47 =	vperm.xlane v18, v12;
	v19 =	vadd.s32 v3, v46  }
0xa2: {  	[tilespmem:s25], [sflag:$0x1] =	stream.indirect_vreg.gather [hbm4b:s16+s14], $0x80, v43, vm0, $0xb8;
	[tilespmem:$0x10480] =	vst v63  }
0xa3: {  	s26 =	sadd.s32 $0x2000, s18;
	v49 =	vperm.xlane v18, v13;
	v48 =	vadd.s32 v3, v47  }
0xa4: {  	[tilespmem:s26], [sflag:$0x1] =	stream.indirect_vreg.gather [hbm4b:s16+s14], $0x80, v45, vm0, $0xb8;
	[tilespmem:$0x10480] =	vst v63  }
0xa5: {  	s28 =	sadd.s32 $0x2080, s18;
	v51 =	vperm.xlane v18, v14;
	v50 =	vadd.s32 v3, v49  }
0xa6: {  	[tilespmem:s28], [sflag:$0x1] =	stream.indirect_vreg.gather [hbm4b:s16+s14], $0x80, v19, vm0, $0xb8;
	[tilespmem:$0x10480] =	vst v63  }
0xa7: {  	s29 =	sadd.s32 $0x2100, s18;
	v52 =	vperm.xlane v18, v15;
	v19 =	vadd.s32 v3, v51  }
0xa8: {  	[tilespmem:s29], [sflag:$0x1] =	stream.indirect_vreg.gather [hbm4b:s16+s14], $0x80, v48, vm0, $0xb8;
	[tilespmem:$0x10480] =	vst v63  }
0xa9: {  	v54 =	vperm.xlane v18, v16;
	v53 =	vadd.s32 v3, v52;
	s30 =	sadd.s32 $0x2180, s18  }
0xaa: {  	[tilespmem:s30], [sflag:$0x1] =	stream.indirect_vreg.gather [hbm4b:s16+s14], $0x80, v50, vm0, $0xb8;
	[tilespmem:$0x10480] =	vst v63  }
0xab: {  	v18 =	vperm.xlane v18, v17;
	v55 =	vadd.s32 v3, v54;
	s31 =	sadd.s32 $0x2200, s18  }
0xac: {  	[tilespmem:s31], [sflag:$0x1] =	stream.indirect_vreg.gather [hbm4b:s16+s14], $0x80, v19, vm0, $0xb8;
	[tilespmem:$0x10480] =	vst v63  }
0xad: {  	v18 =	vadd.s32 v3, v18;
	s20 =	sadd.s32 $0x2280, s18  }
0xae: {  	[tilespmem:s20], [sflag:$0x1] =	stream.indirect_vreg.gather [hbm4b:s16+s14], $0x80, v53, vm0, $0xb8;
	[tilespmem:$0x10480] =	vst v63  }
0xaf: {  	s21 =	sadd.s32 $0x2300, s18  }
0xb0: {  	[tilespmem:s21], [sflag:$0x1] =	stream.indirect_vreg.gather [hbm4b:s16+s14], $0x80, v55, vm0, $0xb8;
	[tilespmem:$0x10480] =	vst v63  }
0xb1: {  	s22 =	sadd.s32 $0x2380, s18  }
0xb2: {  	[tilespmem:s22], [sflag:$0x1] =	stream.indirect_vreg.gather [hbm4b:s16+s14], $0x80, v18, vm0, $0xb8;
	[tilespmem:$0x10480] =	vst v63  }
0xb3: {  	v18 =	vld [tilespmem:s15+$0x0];
	_ =	sdelay $0x4  }
0xb4: {  	v19 =	vshll.u32 v18, $0x7  }
0xb5: {  	v18 =	vand.u32 $0x7, v18;
	v19 =	vand.u32 $0xFFFFFC00, v19  }
0xb6: {  	v18 =	vor.u32 v18, v19  }
0xb7: {  	v19 =	vperm.xlane v18, v2;
	_ =	sdelay $0x1  }
0xb8: {  	v56 =	vperm.xlane v18, v4;
	v19 =	vadd.s32 v3, v19;
	_ =	sdelay $0x1  }
0xb9: {  	v57 =	vperm.xlane v18, v5;
	v20 =	vadd.s32 v3, v56;
	_ =	sdelay $0x1  }
0xba: {  	s23 =	sadd.s32 $0x2400, s18;
	v58 =	vperm.xlane v18, v6;
	v21 =	vadd.s32 v3, v57  }
0xbb: {  	[tilespmem:s23], [sflag:$0x1] =	stream.indirect_vreg.gather [hbm4b:s16+s14], $0x80, v19, vm0, $0xb8;
	[tilespmem:$0x10480] =	vst v63  }
0xbc: {  	s24 =	sadd.s32 $0x2480, s18;
	v59 =	vperm.xlane v18, v7;
	v19 =	vadd.s32 v3, v58  }
0xbd: {  	[tilespmem:s24], [sflag:$0x1] =	stream.indirect_vreg.gather [hbm4b:s16+s14], $0x80, v20, vm0, $0xb8;
	[tilespmem:$0x10480] =	vst v63  }
0xbe: {  	s25 =	sadd.s32 $0x2500, s18;
	v61 =	vperm.xlane v18, v8;
	v60 =	vadd.s32 v3, v59  }
0xbf: {  	[tilespmem:s25], [sflag:$0x1] =	stream.indirect_vreg.gather [hbm4b:s16+s14], $0x80, v21, vm0, $0xb8;
	[tilespmem:$0x10480] =	vst v63  }
0xc0: {  	s26 =	sadd.s32 $0x2580, s18;
	v63 =	vperm.xlane v18, v9;
	v62 =	vadd.s32 v3, v61  }
0xc1: {  	[tilespmem:s26], [sflag:$0x1] =	stream.indirect_vreg.gather [hbm4b:s16+s14], $0x80, v19, vm0, $0xb8;
	[tilespmem:$0x10480] =	vst v63  }
0xc2: {  	s28 =	sadd.s32 $0x2600, s18;
	v24 =	vperm.xlane v18, v1;
	v19 =	vadd.s32 v3, v63  }
0xc3: {  	[tilespmem:s28], [sflag:$0x1] =	stream.indirect_vreg.gather [hbm4b:s16+s14], $0x80, v60, vm0, $0xb8;
	[tilespmem:$0x10480] =	vst v63  }
0xc4: {  	s29 =	sadd.s32 $0x2680, s18;
	v26 =	vperm.xlane v18, v10;
	v25 =	vadd.s32 v3, v24  }
0xc5: {  	[tilespmem:s29], [sflag:$0x1] =	stream.indirect_vreg.gather [hbm4b:s16+s14], $0x80, v62, vm0, $0xb8;
	[tilespmem:$0x10480] =	vst v63  }
0xc6: {  	s30 =	sadd.s32 $0x2700, s18;
	v28 =	vperm.xlane v18, v11;
	v27 =	vadd.s32 v3, v26  }
0xc7: {  	[tilespmem:s30], [sflag:$0x1] =	stream.indirect_vreg.gather [hbm4b:s16+s14], $0x80, v19, vm0, $0xb8;
	[tilespmem:$0x10480] =	vst v63  }
0xc8: {  	s31 =	sadd.s32 $0x2780, s18;
	v29 =	vperm.xlane v18, v12;
	v19 =	vadd.s32 v3, v28  }
0xc9: {  	[tilespmem:s31], [sflag:$0x1] =	stream.indirect_vreg.gather [hbm4b:s16+s14], $0x80, v25, vm0, $0xb8;
	[tilespmem:$0x10480] =	vst v63  }
0xca: {  	s20 =	sadd.s32 $0x2800, s18;
	v31 =	vperm.xlane v18, v13;
	v30 =	vadd.s32 v3, v29  }
0xcb: {  	[tilespmem:s20], [sflag:$0x1] =	stream.indirect_vreg.gather [hbm4b:s16+s14], $0x80, v27, vm0, $0xb8;
	[tilespmem:$0x10480] =	vst v63  }
0xcc: {  	s21 =	sadd.s32 $0x2880, s18;
	v33 =	vperm.xlane v18, v14;
	v32 =	vadd.s32 v3, v31  }
0xcd: {  	[tilespmem:s21], [sflag:$0x1] =	stream.indirect_vreg.gather [hbm4b:s16+s14], $0x80, v19, vm0, $0xb8;
	[tilespmem:$0x10480] =	vst v63  }
0xce: {  	s22 =	sadd.s32 $0x2900, s18;
	v34 =	vperm.xlane v18, v15;
	v19 =	vadd.s32 v3, v33  }
0xcf: {  	[tilespmem:s22], [sflag:$0x1] =	stream.indirect_vreg.gather [hbm4b:s16+s14], $0x80, v30, vm0, $0xb8;
	[tilespmem:$0x10480] =	vst v63  }
0xd0: {  	v36 =	vperm.xlane v18, v16;
	v35 =	vadd.s32 v3, v34;
	s23 =	sadd.s32 $0x2980, s18  }
0xd1: {  	[tilespmem:s23], [sflag:$0x1] =	stream.indirect_vreg.gather [hbm4b:s16+s14], $0x80, v32, vm0, $0xb8;
	[tilespmem:$0x10480] =	vst v63  }
0xd2: {  	v18 =	vperm.xlane v18, v17;
	v37 =	vadd.s32 v3, v36;
	s24 =	sadd.s32 $0x2A00, s18  }
0xd3: {  	[tilespmem:s24], [sflag:$0x1] =	stream.indirect_vreg.gather [hbm4b:s16+s14], $0x80, v19, vm0, $0xb8;
	[tilespmem:$0x10480] =	vst v63  }
0xd4: {  	v18 =	vadd.s32 v3, v18;
	s25 =	sadd.s32 $0x2A80, s18  }
0xd5: {  	[tilespmem:s25], [sflag:$0x1] =	stream.indirect_vreg.gather [hbm4b:s16+s14], $0x80, v35, vm0, $0xb8;
	[tilespmem:$0x10480] =	vst v63  }
0xd6: {  	s26 =	sadd.s32 $0x2B00, s18  }
0xd7: {  	[tilespmem:s26], [sflag:$0x1] =	stream.indirect_vreg.gather [hbm4b:s16+s14], $0x80, v37, vm0, $0xb8;
	[tilespmem:$0x10480] =	vst v63  }
0xd8: {  	s28 =	sadd.s32 $0x2B80, s18  }
0xd9: {  	[tilespmem:s28], [sflag:$0x1] =	stream.indirect_vreg.gather [hbm4b:s16+s14], $0x80, v18, vm0, $0xb8;
	[tilespmem:$0x10480] =	vst v63  }
0xda: {  	v18 =	vld [tilespmem:s15+$0x10];
	_ =	sdelay $0x4  }
0xdb: {  	v19 =	vshll.u32 v18, $0x7  }
0xdc: {  	v18 =	vand.u32 $0x7, v18;
	v19 =	vand.u32 $0xFFFFFC00, v19  }
0xdd: {  	v18 =	vor.u32 v18, v19  }
0xde: {  	v19 =	vperm.xlane v18, v2;
	_ =	sdelay $0x1  }
0xdf: {  	v38 =	vperm.xlane v18, v4;
	v19 =	vadd.s32 v3, v19;
	_ =	sdelay $0x1  }
0xe0: {  	v39 =	vperm.xlane v18, v5;
	v20 =	vadd.s32 v3, v38;
	_ =	sdelay $0x1  }
0xe1: {  	s29 =	sadd.s32 $0x2C00, s18;
	v40 =	vperm.xlane v18, v6;
	v21 =	vadd.s32 v3, v39  }
0xe2: {  	[tilespmem:s29], [sflag:$0x1] =	stream.indirect_vreg.gather [hbm4b:s16+s14], $0x80, v19, vm0, $0xb8;
	[tilespmem:$0x10480] =	vst v63  }
0xe3: {  	s30 =	sadd.s32 $0x2C80, s18;
	v41 =	vperm.xlane v18, v7;
	v19 =	vadd.s32 v3, v40  }
0xe4: {  	[tilespmem:s30], [sflag:$0x1] =	stream.indirect_vreg.gather [hbm4b:s16+s14], $0x80, v20, vm0, $0xb8;
	[tilespmem:$0x10480] =	vst v63  }
0xe5: {  	s31 =	sadd.s32 $0x2D00, s18;
	v43 =	vperm.xlane v18, v8;
	v42 =	vadd.s32 v3, v41  }
0xe6: {  	[tilespmem:s31], [sflag:$0x1] =	stream.indirect_vreg.gather [hbm4b:s16+s14], $0x80, v21, vm0, $0xb8;
	[tilespmem:$0x10480] =	vst v63  }
0xe7: {  	s20 =	sadd.s32 $0x2D80, s18;
	v45 =	vperm.xlane v18, v9;
	v44 =	vadd.s32 v3, v43  }
0xe8: {  	[tilespmem:s20], [sflag:$0x1] =	stream.indirect_vreg.gather [hbm4b:s16+s14], $0x80, v19, vm0, $0xb8;
	[tilespmem:$0x10480] =	vst v63  }
0xe9: {  	s21 =	sadd.s32 $0x2E00, s18;
	v46 =	vperm.xlane v18, v1;
	v19 =	vadd.s32 v3, v45  }
0xea: {  	[tilespmem:s21], [sflag:$0x1] =	stream.indirect_vreg.gather [hbm4b:s16+s14], $0x80, v42, vm0, $0xb8;
	[tilespmem:$0x10480] =	vst v63  }
0xeb: {  	s22 =	sadd.s32 $0x2E80, s18;
	v48 =	vperm.xlane v18, v10;
	v47 =	vadd.s32 v3, v46  }
0xec: {  	[tilespmem:s22], [sflag:$0x1] =	stream.indirect_vreg.gather [hbm4b:s16+s14], $0x80, v44, vm0, $0xb8;
	[tilespmem:$0x10480] =	vst v63  }
0xed: {  	s23 =	sadd.s32 $0x2F00, s18;
	v50 =	vperm.xlane v18, v11;
	v49 =	vadd.s32 v3, v48  }
0xee: {  	[tilespmem:s23], [sflag:$0x1] =	stream.indirect_vreg.gather [hbm4b:s16+s14], $0x80, v19, vm0, $0xb8;
	[tilespmem:$0x10480] =	vst v63  }
0xef: {  	s24 =	sadd.s32 $0x2F80, s18;
	v51 =	vperm.xlane v18, v12;
	v19 =	vadd.s32 v3, v50  }
0xf0: {  	[tilespmem:s24], [sflag:$0x1] =	stream.indirect_vreg.gather [hbm4b:s16+s14], $0x80, v47, vm0, $0xb8;
	[tilespmem:$0x10480] =	vst v63  }
0xf1: {  	s25 =	sadd.s32 $0x3000, s18;
	v53 =	vperm.xlane v18, v13;
	v52 =	vadd.s32 v3, v51  }
0xf2: {  	[tilespmem:s25], [sflag:$0x1] =	stream.indirect_vreg.gather [hbm4b:s16+s14], $0x80, v49, vm0, $0xb8;
	[tilespmem:$0x10480] =	vst v63  }
0xf3: {  	s26 =	sadd.s32 $0x3080, s18;
	v55 =	vperm.xlane v18, v14;
	v54 =	vadd.s32 v3, v53  }
0xf4: {  	[tilespmem:s26], [sflag:$0x1] =	stream.indirect_vreg.gather [hbm4b:s16+s14], $0x80, v19, vm0, $0xb8;
	[tilespmem:$0x10480] =	vst v63  }
0xf5: {  	s28 =	sadd.s32 $0x3100, s18;
	v56 =	vperm.xlane v18, v15;
	v19 =	vadd.s32 v3, v55  }
0xf6: {  	[tilespmem:s28], [sflag:$0x1] =	stream.indirect_vreg.gather [hbm4b:s16+s14], $0x80, v52, vm0, $0xb8;
	[tilespmem:$0x10480] =	vst v63  }
0xf7: {  	v58 =	vperm.xlane v18, v16;
	v57 =	vadd.s32 v3, v56;
	s29 =	sadd.s32 $0x3180, s18  }
0xf8: {  	[tilespmem:s29], [sflag:$0x1] =	stream.indirect_vreg.gather [hbm4b:s16+s14], $0x80, v54, vm0, $0xb8;
	[tilespmem:$0x10480] =	vst v63  }
0xf9: {  	v18 =	vperm.xlane v18, v17;
	v59 =	vadd.s32 v3, v58;
	s30 =	sadd.s32 $0x3200, s18  }
0xfa: {  	[tilespmem:s30], [sflag:$0x1] =	stream.indirect_vreg.gather [hbm4b:s16+s14], $0x80, v19, vm0, $0xb8;
	[tilespmem:$0x10480] =	vst v63  }
0xfb: {  	v18 =	vadd.s32 v3, v18;
	s31 =	sadd.s32 $0x3280, s18  }
0xfc: {  	[tilespmem:s31], [sflag:$0x1] =	stream.indirect_vreg.gather [hbm4b:s16+s14], $0x80, v57, vm0, $0xb8;
	[tilespmem:$0x10480] =	vst v63  }
0xfd: {  	s20 =	sadd.s32 $0x3300, s18  }
0xfe: {  	[tilespmem:s20], [sflag:$0x1] =	stream.indirect_vreg.gather [hbm4b:s16+s14], $0x80, v59, vm0, $0xb8;
	[tilespmem:$0x10480] =	vst v63  }
0xff: {  	s21 =	sadd.s32 $0x3380, s18  }
0x100: {  	[tilespmem:s21], [sflag:$0x1] =	stream.indirect_vreg.gather [hbm4b:s16+s14], $0x80, v18, vm0, $0xb8;
	[tilespmem:$0x10480] =	vst v63  }
0x101: {  	v18 =	vld [tilespmem:s15+$0x20];
	_ =	sdelay $0x4  }
0x102: {  	v19 =	vshll.u32 v18, $0x7  }
0x103: {  	v18 =	vand.u32 $0x7, v18;
	v19 =	vand.u32 $0xFFFFFC00, v19  }
0x104: {  	v18 =	vor.u32 v18, v19  }
0x105: {  	v19 =	vperm.xlane v18, v2;
	_ =	sdelay $0x1  }
0x106: {  	v60 =	vperm.xlane v18, v4;
	v19 =	vadd.s32 v3, v19;
	_ =	sdelay $0x1  }
0x107: {  	v61 =	vperm.xlane v18, v5;
	v20 =	vadd.s32 v3, v60;
	_ =	sdelay $0x1  }
0x108: {  	s22 =	sadd.s32 $0x3400, s18;
	v62 =	vperm.xlane v18, v6;
	v21 =	vadd.s32 v3, v61  }
0x109: {  	[tilespmem:s22], [sflag:$0x1] =	stream.indirect_vreg.gather [hbm4b:s16+s14], $0x80, v19, vm0, $0xb8;
	[tilespmem:$0x10480] =	vst v63  }
0x10a: {  	s23 =	sadd.s32 $0x3480, s18;
	v63 =	vperm.xlane v18, v7;
	v19 =	vadd.s32 v3, v62  }
0x10b: {  	[tilespmem:s23], [sflag:$0x1] =	stream.indirect_vreg.gather [hbm4b:s16+s14], $0x80, v20, vm0, $0xb8;
	[tilespmem:$0x10480] =	vst v63  }
0x10c: {  	s24 =	sadd.s32 $0x3500, s18;
	v25 =	vperm.xlane v18, v8;
	v24 =	vadd.s32 v3, v63  }
0x10d: {  	[tilespmem:s24], [sflag:$0x1] =	stream.indirect_vreg.gather [hbm4b:s16+s14], $0x80, v21, vm0, $0xb8;
	[tilespmem:$0x10480] =	vst v63  }
0x10e: {  	s25 =	sadd.s32 $0x3580, s18;
	v27 =	vperm.xlane v18, v9;
	v26 =	vadd.s32 v3, v25  }
0x10f: {  	[tilespmem:s25], [sflag:$0x1] =	stream.indirect_vreg.gather [hbm4b:s16+s14], $0x80, v19, vm0, $0xb8;
	[tilespmem:$0x10480] =	vst v63  }
0x110: {  	s26 =	sadd.s32 $0x3600, s18;
	v28 =	vperm.xlane v18, v1;
	v19 =	vadd.s32 v3, v27  }
0x111: {  	[tilespmem:s26], [sflag:$0x1] =	stream.indirect_vreg.gather [hbm4b:s16+s14], $0x80, v24, vm0, $0xb8;
	[tilespmem:$0x10480] =	vst v63  }
0x112: {  	s28 =	sadd.s32 $0x3680, s18;
	v30 =	vperm.xlane v18, v10;
	v29 =	vadd.s32 v3, v28  }
0x113: {  	[tilespmem:s28], [sflag:$0x1] =	stream.indirect_vreg.gather [hbm4b:s16+s14], $0x80, v26, vm0, $0xb8;
	[tilespmem:$0x10480] =	vst v63  }
0x114: {  	s29 =	sadd.s32 $0x3700, s18;
	v32 =	vperm.xlane v18, v11;
	v31 =	vadd.s32 v3, v30  }
0x115: {  	[tilespmem:s29], [sflag:$0x1] =	stream.indirect_vreg.gather [hbm4b:s16+s14], $0x80, v19, vm0, $0xb8;
	[tilespmem:$0x10480] =	vst v63  }
0x116: {  	s30 =	sadd.s32 $0x3780, s18;
	v33 =	vperm.xlane v18, v12;
	v19 =	vadd.s32 v3, v32  }
0x117: {  	[tilespmem:s30], [sflag:$0x1] =	stream.indirect_vreg.gather [hbm4b:s16+s14], $0x80, v29, vm0, $0xb8;
	[tilespmem:$0x10480] =	vst v63  }
0x118: {  	s31 =	sadd.s32 $0x3800, s18;
	v35 =	vperm.xlane v18, v13;
	v34 =	vadd.s32 v3, v33  }
0x119: {  	[tilespmem:s31], [sflag:$0x1] =	stream.indirect_vreg.gather [hbm4b:s16+s14], $0x80, v31, vm0, $0xb8;
	[tilespmem:$0x10480] =	vst v63  }
0x11a: {  	s20 =	sadd.s32 $0x3880, s18;
	v37 =	vperm.xlane v18, v14;
	v36 =	vadd.s32 v3, v35  }
0x11b: {  	[tilespmem:s20], [sflag:$0x1] =	stream.indirect_vreg.gather [hbm4b:s16+s14], $0x80, v19, vm0, $0xb8;
	[tilespmem:$0x10480] =	vst v63  }
0x11c: {  	s21 =	sadd.s32 $0x3900, s18;
	v38 =	vperm.xlane v18, v15;
	v19 =	vadd.s32 v3, v37  }
0x11d: {  	[tilespmem:s21], [sflag:$0x1] =	stream.indirect_vreg.gather [hbm4b:s16+s14], $0x80, v34, vm0, $0xb8;
	[tilespmem:$0x10480] =	vst v63  }
0x11e: {  	v40 =	vperm.xlane v18, v16;
	v39 =	vadd.s32 v3, v38;
	s22 =	sadd.s32 $0x3980, s18  }
0x11f: {  	[tilespmem:s22], [sflag:$0x1] =	stream.indirect_vreg.gather [hbm4b:s16+s14], $0x80, v36, vm0, $0xb8;
	[tilespmem:$0x10480] =	vst v63  }
0x120: {  	v18 =	vperm.xlane v18, v17;
	v41 =	vadd.s32 v3, v40;
	s23 =	sadd.s32 $0x3A00, s18  }
0x121: {  	[tilespmem:s23], [sflag:$0x1] =	stream.indirect_vreg.gather [hbm4b:s16+s14], $0x80, v19, vm0, $0xb8;
	[tilespmem:$0x10480] =	vst v63  }
0x122: {  	v18 =	vadd.s32 v3, v18;
	s24 =	sadd.s32 $0x3A80, s18  }
0x123: {  	[tilespmem:s24], [sflag:$0x1] =	stream.indirect_vreg.gather [hbm4b:s16+s14], $0x80, v39, vm0, $0xb8;
	[tilespmem:$0x10480] =	vst v63  }
0x124: {  	s25 =	sadd.s32 $0x3B00, s18  }
0x125: {  	[tilespmem:s25], [sflag:$0x1] =	stream.indirect_vreg.gather [hbm4b:s16+s14], $0x80, v41, vm0, $0xb8;
	[tilespmem:$0x10480] =	vst v63  }
0x126: {  	s26 =	sadd.s32 $0x3B80, s18  }
0x127: {  	[tilespmem:s26], [sflag:$0x1] =	stream.indirect_vreg.gather [hbm4b:s16+s14], $0x80, v18, vm0, $0xb8;
	[tilespmem:$0x10480] =	vst v63  }
0x128: {  	v18 =	vld [tilespmem:s15+$0x30];
	_ =	sdelay $0x4  }
0x129: {  	v19 =	vshll.u32 v18, $0x7  }
0x12a: {  	v18 =	vand.u32 $0x7, v18;
	v19 =	vand.u32 $0xFFFFFC00, v19  }
0x12b: {  	v18 =	vor.u32 v18, v19  }
0x12c: {  	v19 =	vperm.xlane v18, v2;
	_ =	sdelay $0x1  }
0x12d: {  	v42 =	vperm.xlane v18, v4;
	v19 =	vadd.s32 v3, v19;
	_ =	sdelay $0x1  }
0x12e: {  	v43 =	vperm.xlane v18, v5;
	v20 =	vadd.s32 v3, v42;
	_ =	sdelay $0x1  }
0x12f: {  	s28 =	sadd.s32 $0x3C00, s18;
	v44 =	vperm.xlane v18, v6;
	v21 =	vadd.s32 v3, v43  }
0x130: {  	[tilespmem:s28], [sflag:$0x1] =	stream.indirect_vreg.gather [hbm4b:s16+s14], $0x80, v19, vm0, $0xb8;
	[tilespmem:$0x10480] =	vst v63  }
0x131: {  	s29 =	sadd.s32 $0x3C80, s18;
	v45 =	vperm.xlane v18, v7;
	v19 =	vadd.s32 v3, v44  }
0x132: {  	[tilespmem:s29], [sflag:$0x1] =	stream.indirect_vreg.gather [hbm4b:s16+s14], $0x80, v20, vm0, $0xb8;
	[tilespmem:$0x10480] =	vst v63  }
0x133: {  	s30 =	sadd.s32 $0x3D00, s18;
	v47 =	vperm.xlane v18, v8;
	v46 =	vadd.s32 v3, v45  }
0x134: {  	[tilespmem:s30], [sflag:$0x1] =	stream.indirect_vreg.gather [hbm4b:s16+s14], $0x80, v21, vm0, $0xb8;
	[tilespmem:$0x10480] =	vst v63  }
0x135: {  	s31 =	sadd.s32 $0x3D80, s18;
	v49 =	vperm.xlane v18, v9;
	v48 =	vadd.s32 v3, v47  }
0x136: {  	[tilespmem:s31], [sflag:$0x1] =	stream.indirect_vreg.gather [hbm4b:s16+s14], $0x80, v19, vm0, $0xb8;
	[tilespmem:$0x10480] =	vst v63  }
0x137: {  	s20 =	sadd.s32 $0x3E00, s18;
	v50 =	vperm.xlane v18, v1;
	v19 =	vadd.s32 v3, v49  }
0x138: {  	[tilespmem:s20], [sflag:$0x1] =	stream.indirect_vreg.gather [hbm4b:s16+s14], $0x80, v46, vm0, $0xb8;
	[tilespmem:$0x10480] =	vst v63  }
0x139: {  	s21 =	sadd.s32 $0x3E80, s18;
	v52 =	vperm.xlane v18, v10;
	v51 =	vadd.s32 v3, v50  }
0x13a: {  	[tilespmem:s21], [sflag:$0x1] =	stream.indirect_vreg.gather [hbm4b:s16+s14], $0x80, v48, vm0, $0xb8;
	[tilespmem:$0x10480] =	vst v63  }
0x13b: {  	s22 =	sadd.s32 $0x3F00, s18;
	v54 =	vperm.xlane v18, v11;
	v53 =	vadd.s32 v3, v52  }
0x13c: {  	[tilespmem:s22], [sflag:$0x1] =	stream.indirect_vreg.gather [hbm4b:s16+s14], $0x80, v19, vm0, $0xb8;
	[tilespmem:$0x10480] =	vst v63  }
0x13d: {  	s23 =	sadd.s32 $0x3F80, s18;
	v55 =	vperm.xlane v18, v12;
	v19 =	vadd.s32 v3, v54  }
0x13e: {  	[tilespmem:s23], [sflag:$0x1] =	stream.indirect_vreg.gather [hbm4b:s16+s14], $0x80, v51, vm0, $0xb8;
	[tilespmem:$0x10480] =	vst v63  }
0x13f: {  	s24 =	sadd.s32 $0x4000, s18;
	v57 =	vperm.xlane v18, v13;
	v56 =	vadd.s32 v3, v55  }
0x140: {  	[tilespmem:s24], [sflag:$0x1] =	stream.indirect_vreg.gather [hbm4b:s16+s14], $0x80, v53, vm0, $0xb8;
	[tilespmem:$0x10480] =	vst v63  }
0x141: {  	s25 =	sadd.s32 $0x4080, s18;
	v59 =	vperm.xlane v18, v14;
	v58 =	vadd.s32 v3, v57  }
0x142: {  	[tilespmem:s25], [sflag:$0x1] =	stream.indirect_vreg.gather [hbm4b:s16+s14], $0x80, v19, vm0, $0xb8;
	[tilespmem:$0x10480] =	vst v63  }
0x143: {  	s26 =	sadd.s32 $0x4100, s18;
	v60 =	vperm.xlane v18, v15;
	v19 =	vadd.s32 v3, v59  }
0x144: {  	[tilespmem:s26], [sflag:$0x1] =	stream.indirect_vreg.gather [hbm4b:s16+s14], $0x80, v56, vm0, $0xb8;
	[tilespmem:$0x10480] =	vst v63  }
0x145: {  	v62 =	vperm.xlane v18, v16;
	v61 =	vadd.s32 v3, v60;
	s28 =	sadd.s32 $0x4180, s18  }
0x146: {  	[tilespmem:s28], [sflag:$0x1] =	stream.indirect_vreg.gather [hbm4b:s16+s14], $0x80, v58, vm0, $0xb8;
	[tilespmem:$0x10480] =	vst v63  }
0x147: {  	v18 =	vperm.xlane v18, v17;
	v63 =	vadd.s32 v3, v62;
	s29 =	sadd.s32 $0x4200, s18  }
0x148: {  	[tilespmem:s29], [sflag:$0x1] =	stream.indirect_vreg.gather [hbm4b:s16+s14], $0x80, v19, vm0, $0xb8;
	[tilespmem:$0x10480] =	vst v63  }
0x149: {  	p0 =	seq.s32 s17, $0x30000;
	v18 =	vadd.s32 v3, v18;
	s30 =	sadd.s32 $0x4280, s18  }
0x14a: {  	[tilespmem:s30], [sflag:$0x1] =	stream.indirect_vreg.gather [hbm4b:s16+s14], $0x80, v61, vm0, $0xb8;
	[tilespmem:$0x10480] =	vst v63  }
.Ltmp0:
0x14b: {  	s31 =	sadd.s32 $0x4300, s18;
	(pc) =	sbr.rel @!p0 .LBB2_2-.Ltmp0, $4  }
0x14c: {  	[tilespmem:s31], [sflag:$0x1] =	stream.indirect_vreg.gather [hbm4b:s16+s14], $0x80, v63, vm0, $0xb8;
	[tilespmem:$0x10480] =	vst v63  }
0x14d: {  	s18 =	sadd.s32 $0x4380, s18  }
0x14e: {  	[tilespmem:s18], [sflag:$0x1] =	stream.indirect_vreg.gather [hbm4b:s16+s14], $0x80, v18, vm0, $0xb8;
	[tilespmem:$0x10480] =	vst v63  }
0x14f: {  	s17 =	sadd.s32 $0x10000, s17;
	s15 =	sadd.s32 $0x80, s15;
	s16 =	sadd.s32 $0x80, s16  }
0x150: {  	v18 =	vimm.f32 $0.0e+00;
	s15 =	simm.s32 $0x200;
	s16 =	simm.s32 $0x0  }
.LBB2_5:
0x151: {  	v20 =	vor.u32 s14, v0  }
0x152: {  	v19 =	vmov s15;
	v21 =	vand.u32 $0x7F, v20;
	v20 =	vshll.u32 v20, $0x7  }
0x153: {  	v21 =	vor.u32 v21, v20  }
0x154: {  	_ =	swait.ge [sflag:s10], $0x4000  }
0x155: {  	s18 =	sadd.s32 $0x10, s14;
	[sflag:s10] =	ssyncset.done $0x0  }
0x156: {  	s17 =	simm.s32 $0x0;
	v22 =	vor.u32 s18, v0;
	[sflag:s10] =	ssyncadd.s32 $0xFFFFC000  }
0x157: {  	v23 =	vand.u32 $0x7F, v22;
	v22 =	vshll.u32 v22, $0x7;
	v20 =	vld.idx.msk [tilespmem:v19+s17+$0x0 ss:$0x1], $0xffff  }
0x158: {  	v22 =	vor.u32 v23, v22;
	v21 =	vld.idx.msk [tilespmem:v21+s11+$0x0], $0xffff;
	_ =	sdelay $0x2  }
0x159: {  	s19 =	simm.s32 $0x10;
	s18 =	sadd.s32 $0x10, s18;
	s17 =	simm.s32 $0x80  }
.LBB2_6:
0x15a: {  	v23 =	vor.u32 s18, v0;
	p0 =	seq.s32 s17, $0x1C0;
	v24 =	vmov v20;
	v20 =	vld.idx.msk [tilespmem:v19+s19+$0x0 ss:$0x1], $0xffff;
	s19 =	smov.u32 s17;
	s17 =	sadd.s32 $0x40, s17  }
.Ltmp1:
0x15b: {  	v25 =	vand.u32 $0x7F, v23;
	v23 =	vshll.u32 v23, $0x7;
	v24 =	vmul.f32 v24, v21;
	v21 =	vld.idx.msk [tilespmem:v22+s11+$0x0], $0xffff;
	(pc) =	sbr.rel @!p0 .LBB2_6-.Ltmp1, $3  }
0x15c: {  	v22 =	vor.u32 v25, v23  }
0x15d: {  	v18 =	vadd.f32 v24, v18;
	_ =	sdelay $0x1  }
0x15e: {  	s18 =	sadd.s32 $0x10, s18;
	s19 =	sshra.s32 s19, $0x2  }
0x15f: {  	_ =	sdelay $0x3  }
0x160: {  	v19 =	vld.idx.msk [tilespmem:v19+s19+$0x0 ss:$0x1], $0xffff  }
0x161: {  	v22 =	vld.idx.msk [tilespmem:v22+s11+$0x0], $0xffff;
	_ =	sdelay $0x2  }
0x162: {  	v20 =	vmul.f32 v20, v21;
	_ =	sdelay $0x1  }
0x163: {  	v18 =	vadd.f32 v20, v18;
	v19 =	vmul.f32 v19, v22;
	_ =	sdelay $0x1  }
0x164: {  	v18 =	vadd.f32 v19, v18  }
0x165: {  	s16 =	sadd.s32 $0x1, s16  }
0x166: {  	p0 =	seq.s32 s16, $0x4  }
.Ltmp2:
0x167: {  	_ = 	snop;
	(pc) =	sbr.rel @!p0 .LBB2_5-.Ltmp2, $2  }
0x168: {  	_ =	sdelay $0x2  }
0x169: {  	s15 =	sadd.s32 $0x80, s15;
	s14 =	sadd.s32 $0x80, s14  }
0x16a: {  	v18 =	vmul.f32 $-6.103515630e-05, v18;
	s13 =	sadd.s32 $0x1, s13  }
0x16b: {  	p0 =	sne.s32 s13, s6  }
.Ltmp3:
0x16c: {  	[tilespmem:$0x10400] =	vst v18;
	(pc) =	sbr.rel @p0 .LBB2_1-.Ltmp3, $4  }
0x16d: {  	[hbm4b:s5+s2] =	stream.linear.scatter [tilespmem:s12], [sflag:$0x2], $0x80, $0x38;
	[tilespmem:$0x10480] =	vst v63  }
0x16e: {  	_ =	swait.ge [sflag:s8], $0x80  }
0x16f: {  	[sflag:s8] =	ssyncset.done $0x0  }
0x170: {  	[sflag:s8] =	ssyncadd.s32 $0xFFFFFF80  }
0x171: {  	_ =	sfence.sel $0x180000  }
0x172: {  	[bflag:$0x0] =	sbarrier.arrive $0xFFFF  }
0x173: {  	p0 =	sne.s32 s1, $0x0;
	_ =	strace $0x90000047  }
0x174: {  	s0 =	sadd.s32 @!p0 $0x100000, s0;
	[bflag:$0x2] =	sbarrier.arrive $0xFFFF  }
0x175: {  	[sflag:s0] =	ssyncadd.tile.s32 @!p0 $0x1;
	_ =	shalt  }
.Lfunc_end2:
_tile_overlayer_lowered:
.L_overlay_start_2:
0x176: {  	(tag) =	ssettag $0x2  }
0x177: {  	s0 =	rddreg [dreg:$0x0];
	s2 =	stileid.u32  }
0x178: {  	s1 =	rddreg [dreg:$0x1];
	p0 =	sne.s32 s2, $0x0  }
0x179: {  	s3 =	rddreg [dreg:$0x2];
	[bflag:$0x3] =	sbarrier.arrive $0xFFFF;
	s2 =	simm.s32 @!p0 $0x1C02  }
0x17a: {  	[timem:s3], [sflag:s2] =	dma.local @!p0 [hbm:s0], s1  }
0x17b: {  	s0 =	simm.s32 @!p0 $0x2  }
0x17c: {  	_ =	swait.ge @!p0 [sflag:s0], s1  }
0x17d: {  	s1 =	ssub.s32 @!p0 $0x0, s1;
	[sflag:s0] =	ssyncset.done @!p0 $0x0  }
0x17e: {  	[sflag:s0] =	ssyncadd.s32 @!p0 s1  }
0x17f: {  	[bflag:$0x3] =	sbarrier.arrive $0xFFFF  }
0x180: {  	_ =	shalt  }

</sc_bundles>
